<compile_context>
chip_gen: v7x
topology: tpu7x:2x2x1
jax: 0.10.2.dev20260603
libtpu: 0.0.44.dev20260713+nightly
codegen_flags: <defaults>
</compile_context>

<pallas_src>
import dataclasses
import functools

import jax
import jax.numpy as jnp
from jax import lax
from jax.experimental import pallas as pl
from jax.experimental.pallas import tpu as pltpu
from jax.experimental.pallas import tpu_sc as plsc

HID = 64
NUM_SC_CORES = 2
NUM_SC_SUBCORES = 16
NUM_WORKERS = NUM_SC_CORES * NUM_SC_SUBCORES
DIMS_PER_WORKER = HID // NUM_WORKERS


def _sc_gather_cols(wyt, x, y, byf):
    v = wyt.shape[1]
    nx = x.shape[0]
    ny = y.shape[0]
    n = nx + ny
    mesh = plsc.VectorSubcoreMesh(core_axis_name="c", subcore_axis_name="s")
    cp = pltpu.CompilerParams()
    if "needs_layout_passes" in pltpu.CompilerParams.__dataclass_fields__:
        cp = dataclasses.replace(cp, needs_layout_passes=False)

    @functools.partial(
        pl.kernel,
        mesh=mesh,
        compiler_params=cp,
        out_type=(
            jax.ShapeDtypeStruct((HID, nx), jnp.float32),
            jax.ShapeDtypeStruct((HID, ny), jnp.float32),
            jax.ShapeDtypeStruct((ny,), jnp.float32),
        ),
        scratch_types=[
            pltpu.VMEM((v,), jnp.float32),
            pltpu.VMEM((n,), jnp.int32),
            pltpu.VMEM((n,), jnp.float32),
            pltpu.VMEM((ny,), jnp.float32),
            pltpu.SemaphoreType.DMA,
        ],
    )
    def gather_kernel(wyt_hbm, x_hbm, y_hbm, byf_hbm, et_hbm, ot_hbm, b_hbm,
                      col_v, idx_v, row_v, b_v, sem):
        wid = lax.axis_index("s") * NUM_SC_CORES + lax.axis_index("c")
        pltpu.sync_copy(x_hbm, idx_v.at[pl.ds(0, nx)])
        pltpu.sync_copy(y_hbm, idx_v.at[pl.ds(nx, ny)])

        nb = ny // 128

        @pl.when(wid == NUM_WORKERS - 1)
        def _():
            @pl.loop(0, nb)
            def _(k):
                pltpu.async_copy(
                    byf_hbm.at[idx_v.at[pl.ds(nx + k * 128, 128)]],
                    b_v.at[pl.ds(k * 128, 128)], sem)

        @pl.loop(0, DIMS_PER_WORKER)
        def _(j):
            d = wid * DIMS_PER_WORKER + j
            pltpu.sync_copy(wyt_hbm.at[d], col_v)

            @pl.loop(0, n, step=128)
            def _(i):
                for u in range(8):
                    ids = idx_v[pl.ds(i + u * 16, 16)]
                    row_v[pl.ds(i + u * 16, 16)] = plsc.load_gather(
                        col_v, [ids])

            pltpu.sync_copy(row_v.at[pl.ds(0, nx)], et_hbm.at[d])
            pltpu.sync_copy(row_v.at[pl.ds(nx, ny)], ot_hbm.at[d])

        @pl.when(wid == NUM_WORKERS - 1)
        def _():
            @pl.loop(0, nb)
            def _(k):
                pltpu.make_async_copy(
                    byf_hbm.at[pl.ds(0, 128)],
                    b_v.at[pl.ds(k * 128, 128)], sem).wait()

            pltpu.sync_copy(b_v, b_hbm)

    return gather_kernel(wyt, x, y, byf)


BI_ROWS = 512


def _fused_t_body(et_ref, ht_ref, wiht_ref, whht_ref, bi_ref, bh_ref,
                  ot_ref, b_ref, r_ref, xht_s):
    i = pl.program_id(0)

    @pl.when(i == 0)
    def _():
        et = et_ref[...]
        ht = ht_ref[...]
        f32 = jnp.float32
        dn = (((0,), (0,)), ((), ()))
        gi = lax.dot_general(wiht_ref[...], et, dn,
                             preferred_element_type=f32) + bi_ref[...]
        gh = lax.dot_general(whht_ref[...], ht, dn,
                             preferred_element_type=f32) + bh_ref[...]
        i_r, i_z, i_n = gi[0:HID], gi[HID:2 * HID], gi[2 * HID:3 * HID]
        h_r, h_z, h_n = gh[0:HID], gh[HID:2 * HID], gh[2 * HID:3 * HID]
        r = jax.nn.sigmoid(i_r + h_r)
        z = jax.nn.sigmoid(i_z + h_z)
        nn = jnp.tanh(i_n + r * h_n)
        xht_s[...] = ((1.0 - z) * nn + z * ht).astype(jnp.bfloat16)

    x = xht_s[:, pl.ds(i * BI_ROWS, BI_ROWS)]
    o = ot_ref[...].astype(jnp.bfloat16)
    acc = lax.dot_general(x, o, (((0,), (0,)), ((), ())),
                          preferred_element_type=jnp.float32)
    r_ref[...] = acc + b_ref[...]


def kernel(X, H, Y, Wy, By, weight_ih, weight_hh, bias_ih, bias_hh):
    batch = X.shape[0]
    ny = Y.shape[0]
    X = X.astype(jnp.int32)
    Y = Y.astype(jnp.int32)

    wyt = Wy.T
    ht0 = H[0].T
    wiht = weight_ih.T
    whht = weight_hh.T
    bi = bias_ih.reshape(3 * HID, 1)
    bh = bias_hh.reshape(3 * HID, 1)

    ET, OT, b1 = _sc_gather_cols(wyt, X, Y, By.reshape(-1))
    b = b1.reshape(1, ny)

    const = lambda i: (0, 0)
    R = pl.pallas_call(
        _fused_t_body,
        grid=(batch // BI_ROWS,),
        in_specs=[
            pl.BlockSpec((HID, batch), const),
            pl.BlockSpec((HID, batch), const),
            pl.BlockSpec((HID, 3 * HID), const),
            pl.BlockSpec((HID, 3 * HID), const),
            pl.BlockSpec((3 * HID, 1), const),
            pl.BlockSpec((3 * HID, 1), const),
            pl.BlockSpec((HID, ny), const),
            pl.BlockSpec((1, ny), const),
        ],
        out_specs=pl.BlockSpec((BI_ROWS, ny), lambda i: (i, 0)),
        out_shape=jax.ShapeDtypeStruct((batch, ny), jnp.float32),
        scratch_shapes=[pltpu.VMEM((HID, batch), jnp.bfloat16)],
        compiler_params=pltpu.CompilerParams(
            dimension_semantics=("arbitrary",)),
    )(ET, ht0, wiht, whht, bi, bh, OT, b)
    return R

# --- scband reference (transcript-rebuilt; emitter-appended) ---
"""Pipeline reference for scband-gru4-rec-model-70489003262022 (READ-ONLY COPY).

The authoritative reference and input builder live on the scoring server;
editing this copy changes nothing except your own understanding.
"""

import jax, jax.numpy as jnp
import numpy as np

N_ITEMS = 100000
HID = 64
BATCH = 4096
N_SAMPLE = 2048


def _uniform_init(key, shape, dim1_scale=1):
    sigma = np.sqrt(6.0 / float(shape[0] + shape[1] / dim1_scale))
    return jax.random.uniform(key, shape, dtype=jnp.float32, minval=-sigma, maxval=sigma)


def setup_inputs(seed: int = 0) -> dict:
    key = jax.random.key(seed)
    ks = jax.random.split(key, 8)
    X = jax.random.randint(ks[0], (BATCH,), 0, N_ITEMS)
    Y = jax.random.randint(ks[1], (BATCH + N_SAMPLE,), 0, N_ITEMS)
    H = jax.random.normal(ks[2], (1, BATCH, HID), dtype=jnp.float32)
    Wy = _uniform_init(ks[3], (N_ITEMS + 1, HID))
    Wy = Wy.at[N_ITEMS].set(0.0)
    By = jnp.zeros((N_ITEMS + 1, 1), dtype=jnp.float32)
    weight_ih = _uniform_init(ks[4], (3 * HID, HID), dim1_scale=3)
    weight_hh = _uniform_init(ks[5], (3 * HID, HID), dim1_scale=3)
    bias_ih = jnp.zeros((3 * HID,), dtype=jnp.float32)
    bias_hh = jnp.zeros((3 * HID,), dtype=jnp.float32)
    return {"X": X, "H": H, "Y": Y, "Wy": Wy, "By": By,
            "weight_ih": weight_ih, "weight_hh": weight_hh,
            "bias_ih": bias_ih, "bias_hh": bias_hh}


def reference(X, H, Y, Wy, By, weight_ih, weight_hh, bias_ih, bias_hh):
    # embed_constrained: shared item embedding for input and output
    XY = jnp.concatenate([X, Y], axis=0)
    EXY = jnp.take(Wy, XY, axis=0)
    split = X.shape[0]
    E = EXY[:split]          # [B, HID] input embeddings
    O = EXY[split:]          # [B+n_sample, HID] output item embeddings
    B = jnp.take(By, Y, axis=0)  # [B+n_sample, 1]
    # single torch.nn.GRUCell step (gate order: r, z, n)
    h0 = H[0]
    gi = E @ weight_ih.T + bias_ih
    gh = h0 @ weight_hh.T + bias_hh
    i_r, i_z, i_n = jnp.split(gi, 3, axis=1)
    h_r, h_z, h_n = jnp.split(gh, 3, axis=1)
    r = jax.nn.sigmoid(i_r + h_r)
    z = jax.nn.sigmoid(i_z + h_z)
    n = jnp.tanh(i_n + r * h_n)
    Xh = (1.0 - z) * n + z * h0
    # score_items
    R = Xh @ O.T + B.T
    return R

if __name__ == "__main__":
    import jax
    _d = setup_inputs()
    print(jax.jit(kernel)(*tuple(_d.values())))

</pallas_src>

<mosaic_0001>
#map = affine_map<(d0, d1) -> (0, 0)>
#map1 = affine_map<(d0, d1) -> (0)>
module attributes {stable_mosaic.version = 14 : i64} {
  func.func @gather_kernel(%arg0: i32, %arg1: i32, %arg2: memref<64x100001xf32, #tpu.memory_space<hbm>>, %arg3: memref<4096xi32, #tpu.memory_space<hbm>>, %arg4: memref<6144xi32, #tpu.memory_space<hbm>>, %arg5: memref<100001xf32, #tpu.memory_space<hbm>>, %arg6: memref<64x4096xf32, #tpu.memory_space<hbm>>, %arg7: memref<64x6144xf32, #tpu.memory_space<hbm>>, %arg8: memref<6144xf32, #tpu.memory_space<hbm>>, %arg9: memref<100001xf32, #tpu.memory_space<vmem>>, %arg10: memref<10240xi32, #tpu.memory_space<vmem>>, %arg11: memref<10240xf32, #tpu.memory_space<vmem>>, %arg12: memref<6144xf32, #tpu.memory_space<vmem>>, %arg13: memref<!tpu.dma_semaphore, #tpu.memory_space<semaphore_mem>>) attributes {dimension_semantics = [#tpu.dimension_semantics<core_parallel>, #tpu.dimension_semantics<subcore_parallel>], iteration_bounds = array<i64: 2, 16>, scalar_prefetch = 0 : i64, scratch_operands = 5 : i64, tpu.core_type = #tpu.core_type<sc_vector_subcore>, window_params = [{transform_indices = #map}, {transform_indices = #map1}, {transform_indices = #map1}, {transform_indices = #map1}, {transform_indices = #map}, {transform_indices = #map}, {transform_indices = #map1}]} {
    %mul3A = arith.constant 2 : i32
    %mul3A_0 = arith.muli %arg1, %mul3A : i32
    %add3A = arith.addi %mul3A_0, %arg0 : i32
    "tpu.region"() ({
      %run_scoped3A = tpu.sem_alloc : memref<!tpu.dma_semaphore, #tpu.memory_space<semaphore_mem>>
      %dma_start3A = arith.constant 0 : i32
      %dma_start3A_12 = tpu.memref_slice %arg10[%dma_start3A] : memref<10240xi32, #tpu.memory_space<vmem>> -> memref<4096xi32, #tpu.memory_space<vmem>>
      %dma_start3A_13 = arith.constant 0 : i32
      %dma_start3A_14 = tpu.memref_slice %arg10[%dma_start3A_13] : memref<10240xi32, #tpu.memory_space<vmem>> -> memref<4096xi32, #tpu.memory_space<vmem>>
      tpu.enqueue_dma source(%arg3 : memref<4096xi32, #tpu.memory_space<hbm>>) target(%dma_start3A_14 : memref<4096xi32, #tpu.memory_space<vmem>>) target_semaphore(%run_scoped3A : memref<!tpu.dma_semaphore, #tpu.memory_space<semaphore_mem>>)
      %dma_wait3A = arith.constant 0 : i32
      %dma_wait3A_15 = tpu.memref_slice %arg10[%dma_wait3A] : memref<10240xi32, #tpu.memory_space<vmem>> -> memref<4096xi32, #tpu.memory_space<vmem>>
      %dma_wait3A_16 = arith.constant 0 : i32
      %dma_wait3A_17 = tpu.memref_slice %arg10[%dma_wait3A_16] : memref<10240xi32, #tpu.memory_space<vmem>> -> memref<4096xi32, #tpu.memory_space<vmem>>
      tpu.wait_dma2 semaphore(%run_scoped3A : memref<!tpu.dma_semaphore, #tpu.memory_space<semaphore_mem>>) src(%arg3 : memref<4096xi32, #tpu.memory_space<hbm>>) dst(%dma_wait3A_17 : memref<4096xi32, #tpu.memory_space<vmem>>)
      tpu.yield
    }) : () -> ()
    "tpu.region"() ({
      %run_scoped3A = tpu.sem_alloc : memref<!tpu.dma_semaphore, #tpu.memory_space<semaphore_mem>>
      %dma_start3A = arith.constant 4096 : i32
      %dma_start3A_12 = tpu.memref_slice %arg10[%dma_start3A] : memref<10240xi32, #tpu.memory_space<vmem>> -> memref<6144xi32, #tpu.memory_space<vmem>>
      %dma_start3A_13 = arith.constant 4096 : i32
      %dma_start3A_14 = tpu.memref_slice %arg10[%dma_start3A_13] : memref<10240xi32, #tpu.memory_space<vmem>> -> memref<6144xi32, #tpu.memory_space<vmem>>
      tpu.enqueue_dma source(%arg4 : memref<6144xi32, #tpu.memory_space<hbm>>) target(%dma_start3A_14 : memref<6144xi32, #tpu.memory_space<vmem>>) target_semaphore(%run_scoped3A : memref<!tpu.dma_semaphore, #tpu.memory_space<semaphore_mem>>)
      %dma_wait3A = arith.constant 4096 : i32
      %dma_wait3A_15 = tpu.memref_slice %arg10[%dma_wait3A] : memref<10240xi32, #tpu.memory_space<vmem>> -> memref<6144xi32, #tpu.memory_space<vmem>>
      %dma_wait3A_16 = arith.constant 4096 : i32
      %dma_wait3A_17 = tpu.memref_slice %arg10[%dma_wait3A_16] : memref<10240xi32, #tpu.memory_space<vmem>> -> memref<6144xi32, #tpu.memory_space<vmem>>
      tpu.wait_dma2 semaphore(%run_scoped3A : memref<!tpu.dma_semaphore, #tpu.memory_space<semaphore_mem>>) src(%arg4 : memref<6144xi32, #tpu.memory_space<hbm>>) dst(%dma_wait3A_17 : memref<6144xi32, #tpu.memory_space<vmem>>)
      tpu.yield
    }) : () -> ()
    %eq3A = arith.constant 31 : i32
    %eq3A_1 = arith.cmpi eq, %add3A, %eq3A : i32
    %convert_element_type3A = arith.extui %eq3A_1 : i1 to i32
    %cond3A = arith.constant 0 : i32
    %cond3A_2 = arith.cmpi ne, %convert_element_type3A, %cond3A : i32
    scf.if %cond3A_2 {
      %scan3A_12 = arith.constant 0 : i32
      %scan3A_13 = arith.constant 48 : i32
      %scan3A_14 = arith.addi %scan3A_12, %scan3A_13 : i32
      %scan3A_15 = arith.constant 1 : i32
      scf.for %scan3A_17 = %scan3A_12 to %scan3A_14 step %scan3A_15  : i32 {
        %mul3A_18 = arith.constant 1 : i32
        %mul3A_19 = arith.muli %scan3A_17, %mul3A_18 : i32
        %add3A_20 = arith.constant 0 : i32
        %add3A_21 = arith.addi %add3A_20, %mul3A_19 : i32
        %mul3A_22 = arith.constant 128 : i32
        %mul3A_23 = arith.muli %add3A_21, %mul3A_22 : i32
        %add3A_24 = arith.constant 4096 : i32
        %add3A_25 = arith.addi %add3A_24, %mul3A_23 : i32
        %mul3A_26 = arith.constant 128 : i32
        %mul3A_27 = arith.muli %add3A_21, %mul3A_26 : i32
        %dma_start3A = tpu.memref_slice %arg12[%mul3A_27] : memref<6144xf32, #tpu.memory_space<vmem>> -> memref<128xf32, #tpu.memory_space<vmem>>
        %dma_start3A_28 = tpu.memref_slice %arg10[%add3A_25] : memref<10240xi32, #tpu.memory_space<vmem>> -> memref<128xi32, #tpu.memory_space<vmem>>
        %dma_start3A_29 = arith.constant 0 : i32
        %dma_start3A_30 = tpu.memref_slice %arg5[%dma_start3A_29] : memref<100001xf32, #tpu.memory_space<hbm>> -> memref<100001xf32, #tpu.memory_space<hbm>>
        tpu.enqueue_indirect_dma source(%dma_start3A_30 : memref<100001xf32, #tpu.memory_space<hbm>>) target(%dma_start3A : memref<128xf32, #tpu.memory_space<vmem>>) offsets(%dma_start3A_28 : memref<128xi32, #tpu.memory_space<vmem>>) semaphore(%arg13 : memref<!tpu.dma_semaphore, #tpu.memory_space<semaphore_mem>>)
      }
      %scan3A_16 = arith.constant 48 : i32
    } else {
    }
    %scan3A = arith.constant 0 : i32
    %scan3A_3 = arith.constant 2 : i32
    %scan3A_4 = arith.addi %scan3A, %scan3A_3 : i32
    %scan3A_5 = arith.constant 1 : i32
    scf.for %scan3A_12 = %scan3A to %scan3A_4 step %scan3A_5  : i32 {
      %mul3A_13 = arith.constant 1 : i32
      %mul3A_14 = arith.muli %scan3A_12, %mul3A_13 : i32
      %add3A_15 = arith.constant 0 : i32
      %add3A_16 = arith.addi %add3A_15, %mul3A_14 : i32
      %mul3A_17 = arith.constant 2 : i32
      %mul3A_18 = arith.muli %add3A, %mul3A_17 : i32
      %add3A_19 = arith.addi %mul3A_18, %add3A_16 : i32
      "tpu.region"() ({
        %run_scoped3A = tpu.sem_alloc : memref<!tpu.dma_semaphore, #tpu.memory_space<semaphore_mem>>
        %dma_start3A = arith.constant 0 : i32
        %dma_start3A_25 = tpu.memref_slice %arg2[%add3A_19, %dma_start3A] : memref<64x100001xf32, #tpu.memory_space<hbm>> -> memref<1x100001xf32, #tpu.memory_space<hbm>>
        %dma_start3A_26 = tpu.memref_squeeze %dma_start3A_25 : memref<1x100001xf32, #tpu.memory_space<hbm>> -> memref<100001xf32, #tpu.memory_space<hbm>>
        %dma_start3A_27 = arith.constant 0 : i32
        %dma_start3A_28 = tpu.memref_slice %arg2[%add3A_19, %dma_start3A_27] : memref<64x100001xf32, #tpu.memory_space<hbm>> -> memref<1x100001xf32, #tpu.memory_space<hbm>>
        %dma_start3A_29 = tpu.memref_squeeze %dma_start3A_28 : memref<1x100001xf32, #tpu.memory_space<hbm>> -> memref<100001xf32, #tpu.memory_space<hbm>>
        tpu.enqueue_dma source(%dma_start3A_29 : memref<100001xf32, #tpu.memory_space<hbm>>) target(%arg9 : memref<100001xf32, #tpu.memory_space<vmem>>) target_semaphore(%run_scoped3A : memref<!tpu.dma_semaphore, #tpu.memory_space<semaphore_mem>>)
        %dma_wait3A = arith.constant 0 : i32
        %dma_wait3A_30 = tpu.memref_slice %arg2[%add3A_19, %dma_wait3A] : memref<64x100001xf32, #tpu.memory_space<hbm>> -> memref<1x100001xf32, #tpu.memory_space<hbm>>
        %dma_wait3A_31 = tpu.memref_squeeze %dma_wait3A_30 : memref<1x100001xf32, #tpu.memory_space<hbm>> -> memref<100001xf32, #tpu.memory_space<hbm>>
        %dma_wait3A_32 = arith.constant 0 : i32
        %dma_wait3A_33 = tpu.memref_slice %arg2[%add3A_19, %dma_wait3A_32] : memref<64x100001xf32, #tpu.memory_space<hbm>> -> memref<1x100001xf32, #tpu.memory_space<hbm>>
        %dma_wait3A_34 = tpu.memref_squeeze %dma_wait3A_33 : memref<1x100001xf32, #tpu.memory_space<hbm>> -> memref<100001xf32, #tpu.memory_space<hbm>>
        tpu.wait_dma2 semaphore(%run_scoped3A : memref<!tpu.dma_semaphore, #tpu.memory_space<semaphore_mem>>) src(%dma_wait3A_34 : memref<100001xf32, #tpu.memory_space<hbm>>) dst(%arg9 : memref<100001xf32, #tpu.memory_space<vmem>>)
        tpu.yield
      }) : () -> ()
      %scan3A_20 = arith.constant 0 : i32
      %scan3A_21 = arith.constant 80 : i32
      %scan3A_22 = arith.addi %scan3A_20, %scan3A_21 : i32
      %scan3A_23 = arith.constant 1 : i32
      scf.for %scan3A_25 = %scan3A_20 to %scan3A_22 step %scan3A_23  : i32 {
        %mul3A_26 = arith.constant 128 : i32
        %mul3A_27 = arith.muli %scan3A_25, %mul3A_26 : i32
        %add3A_28 = arith.constant 0 : i32
        %add3A_29 = arith.addi %add3A_28, %mul3A_27 : i32
        %add3A_30 = arith.constant 0 : i32
        %add3A_31 = arith.addi %add3A_29, %add3A_30 : i32
        %get3A = arith.index_cast %add3A_31 : i32 to index
        %get3A_32 = tpu.vector_load %arg10[%get3A] {strides = array<i32>} : memref<10240xi32, #tpu.memory_space<vmem>>, vector<16xi32>,
        %gather3A = tpu.vector_load_idx %arg9[%get3A_32] : memref<100001xf32, #tpu.memory_space<vmem>>[vector<16xi32>], vector<16xf32>,
        %add3A_33 = arith.constant 0 : i32
        %add3A_34 = arith.addi %add3A_29, %add3A_33 : i32
        %swap3A = arith.index_cast %add3A_34 : i32 to index
        %swap3A_35 = tpu.vector_load %arg11[%swap3A] {strides = array<i32>} : memref<10240xf32, #tpu.memory_space<vmem>>, vector<16xf32>,
        tpu.vector_store %arg11[%swap3A], %gather3A {strides = array<i32>} : memref<10240xf32, #tpu.memory_space<vmem>>, vector<16xf32>,
        %add3A_36 = arith.constant 16 : i32
        %add3A_37 = arith.addi %add3A_29, %add3A_36 : i32
        %get3A_38 = arith.index_cast %add3A_37 : i32 to index
        %get3A_39 = tpu.vector_load %arg10[%get3A_38] {strides = array<i32>} : memref<10240xi32, #tpu.memory_space<vmem>>, vector<16xi32>,
        %gather3A_40 = tpu.vector_load_idx %arg9[%get3A_39] : memref<100001xf32, #tpu.memory_space<vmem>>[vector<16xi32>], vector<16xf32>,
        %add3A_41 = arith.constant 16 : i32
        %add3A_42 = arith.addi %add3A_29, %add3A_41 : i32
        %swap3A_43 = arith.index_cast %add3A_42 : i32 to index
        %swap3A_44 = tpu.vector_load %arg11[%swap3A_43] {strides = array<i32>} : memref<10240xf32, #tpu.memory_space<vmem>>, vector<16xf32>,
        tpu.vector_store %arg11[%swap3A_43], %gather3A_40 {strides = array<i32>} : memref<10240xf32, #tpu.memory_space<vmem>>, vector<16xf32>,
        %add3A_45 = arith.constant 32 : i32
        %add3A_46 = arith.addi %add3A_29, %add3A_45 : i32
        %get3A_47 = arith.index_cast %add3A_46 : i32 to index
        %get3A_48 = tpu.vector_load %arg10[%get3A_47] {strides = array<i32>} : memref<10240xi32, #tpu.memory_space<vmem>>, vector<16xi32>,
        %gather3A_49 = tpu.vector_load_idx %arg9[%get3A_48] : memref<100001xf32, #tpu.memory_space<vmem>>[vector<16xi32>], vector<16xf32>,
        %add3A_50 = arith.constant 32 : i32
        %add3A_51 = arith.addi %add3A_29, %add3A_50 : i32
        %swap3A_52 = arith.index_cast %add3A_51 : i32 to index
        %swap3A_53 = tpu.vector_load %arg11[%swap3A_52] {strides = array<i32>} : memref<10240xf32, #tpu.memory_space<vmem>>, vector<16xf32>,
        tpu.vector_store %arg11[%swap3A_52], %gather3A_49 {strides = array<i32>} : memref<10240xf32, #tpu.memory_space<vmem>>, vector<16xf32>,
        %add3A_54 = arith.constant 48 : i32
        %add3A_55 = arith.addi %add3A_29, %add3A_54 : i32
        %get3A_56 = arith.index_cast %add3A_55 : i32 to index
        %get3A_57 = tpu.vector_load %arg10[%get3A_56] {strides = array<i32>} : memref<10240xi32, #tpu.memory_space<vmem>>, vector<16xi32>,
        %gather3A_58 = tpu.vector_load_idx %arg9[%get3A_57] : memref<100001xf32, #tpu.memory_space<vmem>>[vector<16xi32>], vector<16xf32>,
        %add3A_59 = arith.constant 48 : i32
        %add3A_60 = arith.addi %add3A_29, %add3A_59 : i32
        %swap3A_61 = arith.index_cast %add3A_60 : i32 to index
        %swap3A_62 = tpu.vector_load %arg11[%swap3A_61] {strides = array<i32>} : memref<10240xf32, #tpu.memory_space<vmem>>, vector<16xf32>,
        tpu.vector_store %arg11[%swap3A_61], %gather3A_58 {strides = array<i32>} : memref<10240xf32, #tpu.memory_space<vmem>>, vector<16xf32>,
        %add3A_63 = arith.constant 64 : i32
        %add3A_64 = arith.addi %add3A_29, %add3A_63 : i32
        %get3A_65 = arith.index_cast %add3A_64 : i32 to index
        %get3A_66 = tpu.vector_load %arg10[%get3A_65] {strides = array<i32>} : memref<10240xi32, #tpu.memory_space<vmem>>, vector<16xi32>,
        %gather3A_67 = tpu.vector_load_idx %arg9[%get3A_66] : memref<100001xf32, #tpu.memory_space<vmem>>[vector<16xi32>], vector<16xf32>,
        %add3A_68 = arith.constant 64 : i32
        %add3A_69 = arith.addi %add3A_29, %add3A_68 : i32
        %swap3A_70 = arith.index_cast %add3A_69 : i32 to index
        %swap3A_71 = tpu.vector_load %arg11[%swap3A_70] {strides = array<i32>} : memref<10240xf32, #tpu.memory_space<vmem>>, vector<16xf32>,
        tpu.vector_store %arg11[%swap3A_70], %gather3A_67 {strides = array<i32>} : memref<10240xf32, #tpu.memory_space<vmem>>, vector<16xf32>,
        %add3A_72 = arith.constant 80 : i32
        %add3A_73 = arith.addi %add3A_29, %add3A_72 : i32
        %get3A_74 = arith.index_cast %add3A_73 : i32 to index
        %get3A_75 = tpu.vector_load %arg10[%get3A_74] {strides = array<i32>} : memref<10240xi32, #tpu.memory_space<vmem>>, vector<16xi32>,
        %gather3A_76 = tpu.vector_load_idx %arg9[%get3A_75] : memref<100001xf32, #tpu.memory_space<vmem>>[vector<16xi32>], vector<16xf32>,
        %add3A_77 = arith.constant 80 : i32
        %add3A_78 = arith.addi %add3A_29, %add3A_77 : i32
        %swap3A_79 = arith.index_cast %add3A_78 : i32 to index
        %swap3A_80 = tpu.vector_load %arg11[%swap3A_79] {strides = array<i32>} : memref<10240xf32, #tpu.memory_space<vmem>>, vector<16xf32>,
        tpu.vector_store %arg11[%swap3A_79], %gather3A_76 {strides = array<i32>} : memref<10240xf32, #tpu.memory_space<vmem>>, vector<16xf32>,
        %add3A_81 = arith.constant 96 : i32
        %add3A_82 = arith.addi %add3A_29, %add3A_81 : i32
        %get3A_83 = arith.index_cast %add3A_82 : i32 to index
        %get3A_84 = tpu.vector_load %arg10[%get3A_83] {strides = array<i32>} : memref<10240xi32, #tpu.memory_space<vmem>>, vector<16xi32>,
        %gather3A_85 = tpu.vector_load_idx %arg9[%get3A_84] : memref<100001xf32, #tpu.memory_space<vmem>>[vector<16xi32>], vector<16xf32>,
        %add3A_86 = arith.constant 96 : i32
        %add3A_87 = arith.addi %add3A_29, %add3A_86 : i32
        %swap3A_88 = arith.index_cast %add3A_87 : i32 to index
        %swap3A_89 = tpu.vector_load %arg11[%swap3A_88] {strides = array<i32>} : memref<10240xf32, #tpu.memory_space<vmem>>, vector<16xf32>,
        tpu.vector_store %arg11[%swap3A_88], %gather3A_85 {strides = array<i32>} : memref<10240xf32, #tpu.memory_space<vmem>>, vector<16xf32>,
        %add3A_90 = arith.constant 112 : i32
        %add3A_91 = arith.addi %add3A_29, %add3A_90 : i32
        %get3A_92 = arith.index_cast %add3A_91 : i32 to index
        %get3A_93 = tpu.vector_load %arg10[%get3A_92] {strides = array<i32>} : memref<10240xi32, #tpu.memory_space<vmem>>, vector<16xi32>,
        %gather3A_94 = tpu.vector_load_idx %arg9[%get3A_93] : memref<100001xf32, #tpu.memory_space<vmem>>[vector<16xi32>], vector<16xf32>,
        %add3A_95 = arith.constant 112 : i32
        %add3A_96 = arith.addi %add3A_29, %add3A_95 : i32
        %swap3A_97 = arith.index_cast %add3A_96 : i32 to index
        %swap3A_98 = tpu.vector_load %arg11[%swap3A_97] {strides = array<i32>} : memref<10240xf32, #tpu.memory_space<vmem>>, vector<16xf32>,
        tpu.vector_store %arg11[%swap3A_97], %gather3A_94 {strides = array<i32>} : memref<10240xf32, #tpu.memory_space<vmem>>, vector<16xf32>,
      }
      %scan3A_24 = arith.constant 80 : i32
      "tpu.region"() ({
        %run_scoped3A = tpu.sem_alloc : memref<!tpu.dma_semaphore, #tpu.memory_space<semaphore_mem>>
        %dma_start3A = arith.constant 0 : i32
        %dma_start3A_25 = tpu.memref_slice %arg11[%dma_start3A] : memref<10240xf32, #tpu.memory_space<vmem>> -> memref<4096xf32, #tpu.memory_space<vmem>>
        %dma_start3A_26 = arith.constant 0 : i32
        %dma_start3A_27 = tpu.memref_slice %arg6[%add3A_19, %dma_start3A_26] : memref<64x4096xf32, #tpu.memory_space<hbm>> -> memref<1x4096xf32, #tpu.memory_space<hbm>>
        %dma_start3A_28 = tpu.memref_squeeze %dma_start3A_27 : memref<1x4096xf32, #tpu.memory_space<hbm>> -> memref<4096xf32, #tpu.memory_space<hbm>>
        %dma_start3A_29 = arith.constant 0 : i32
        %dma_start3A_30 = tpu.memref_slice %arg6[%add3A_19, %dma_start3A_29] : memref<64x4096xf32, #tpu.memory_space<hbm>> -> memref<1x4096xf32, #tpu.memory_space<hbm>>
        %dma_start3A_31 = tpu.memref_squeeze %dma_start3A_30 : memref<1x4096xf32, #tpu.memory_space<hbm>> -> memref<4096xf32, #tpu.memory_space<hbm>>
        %dma_start3A_32 = arith.constant 0 : i32
        %dma_start3A_33 = tpu.memref_slice %arg11[%dma_start3A_32] : memref<10240xf32, #tpu.memory_space<vmem>> -> memref<4096xf32, #tpu.memory_space<vmem>>
        tpu.enqueue_dma source(%dma_start3A_33 : memref<4096xf32, #tpu.memory_space<vmem>>) target(%dma_start3A_31 : memref<4096xf32, #tpu.memory_space<hbm>>) target_semaphore(%run_scoped3A : memref<!tpu.dma_semaphore, #tpu.memory_space<semaphore_mem>>)
        %dma_wait3A = arith.constant 0 : i32
        %dma_wait3A_34 = tpu.memref_slice %arg11[%dma_wait3A] : memref<10240xf32, #tpu.memory_space<vmem>> -> memref<4096xf32, #tpu.memory_space<vmem>>
        %dma_wait3A_35 = arith.constant 0 : i32
        %dma_wait3A_36 = tpu.memref_slice %arg6[%add3A_19, %dma_wait3A_35] : memref<64x4096xf32, #tpu.memory_space<hbm>> -> memref<1x4096xf32, #tpu.memory_space<hbm>>
        %dma_wait3A_37 = tpu.memref_squeeze %dma_wait3A_36 : memref<1x4096xf32, #tpu.memory_space<hbm>> -> memref<4096xf32, #tpu.memory_space<hbm>>
        %dma_wait3A_38 = arith.constant 0 : i32
        %dma_wait3A_39 = tpu.memref_slice %arg6[%add3A_19, %dma_wait3A_38] : memref<64x4096xf32, #tpu.memory_space<hbm>> -> memref<1x4096xf32, #tpu.memory_space<hbm>>
        %dma_wait3A_40 = tpu.memref_squeeze %dma_wait3A_39 : memref<1x4096xf32, #tpu.memory_space<hbm>> -> memref<4096xf32, #tpu.memory_space<hbm>>
        %dma_wait3A_41 = arith.constant 0 : i32
        %dma_wait3A_42 = tpu.memref_slice %arg11[%dma_wait3A_41] : memref<10240xf32, #tpu.memory_space<vmem>> -> memref<4096xf32, #tpu.memory_space<vmem>>
        tpu.wait_dma2 semaphore(%run_scoped3A : memref<!tpu.dma_semaphore, #tpu.memory_space<semaphore_mem>>) src(%dma_wait3A_42 : memref<4096xf32, #tpu.memory_space<vmem>>) dst(%dma_wait3A_40 : memref<4096xf32, #tpu.memory_space<hbm>>)
        tpu.yield
      }) : () -> ()
      "tpu.region"() ({
        %run_scoped3A = tpu.sem_alloc : memref<!tpu.dma_semaphore, #tpu.memory_space<semaphore_mem>>
        %dma_start3A = arith.constant 4096 : i32
        %dma_start3A_25 = tpu.memref_slice %arg11[%dma_start3A] : memref<10240xf32, #tpu.memory_space<vmem>> -> memref<6144xf32, #tpu.memory_space<vmem>>
        %dma_start3A_26 = arith.constant 0 : i32
        %dma_start3A_27 = tpu.memref_slice %arg7[%add3A_19, %dma_start3A_26] : memref<64x6144xf32, #tpu.memory_space<hbm>> -> memref<1x6144xf32, #tpu.memory_space<hbm>>
        %dma_start3A_28 = tpu.memref_squeeze %dma_start3A_27 : memref<1x6144xf32, #tpu.memory_space<hbm>> -> memref<6144xf32, #tpu.memory_space<hbm>>
        %dma_start3A_29 = arith.constant 0 : i32
        %dma_start3A_30 = tpu.memref_slice %arg7[%add3A_19, %dma_start3A_29] : memref<64x6144xf32, #tpu.memory_space<hbm>> -> memref<1x6144xf32, #tpu.memory_space<hbm>>
        %dma_start3A_31 = tpu.memref_squeeze %dma_start3A_30 : memref<1x6144xf32, #tpu.memory_space<hbm>> -> memref<6144xf32, #tpu.memory_space<hbm>>
        %dma_start3A_32 = arith.constant 4096 : i32
        %dma_start3A_33 = tpu.memref_slice %arg11[%dma_start3A_32] : memref<10240xf32, #tpu.memory_space<vmem>> -> memref<6144xf32, #tpu.memory_space<vmem>>
        tpu.enqueue_dma source(%dma_start3A_33 : memref<6144xf32, #tpu.memory_space<vmem>>) target(%dma_start3A_31 : memref<6144xf32, #tpu.memory_space<hbm>>) target_semaphore(%run_scoped3A : memref<!tpu.dma_semaphore, #tpu.memory_space<semaphore_mem>>)
        %dma_wait3A = arith.constant 4096 : i32
        %dma_wait3A_34 = tpu.memref_slice %arg11[%dma_wait3A] : memref<10240xf32, #tpu.memory_space<vmem>> -> memref<6144xf32, #tpu.memory_space<vmem>>
        %dma_wait3A_35 = arith.constant 0 : i32
        %dma_wait3A_36 = tpu.memref_slice %arg7[%add3A_19, %dma_wait3A_35] : memref<64x6144xf32, #tpu.memory_space<hbm>> -> memref<1x6144xf32, #tpu.memory_space<hbm>>
        %dma_wait3A_37 = tpu.memref_squeeze %dma_wait3A_36 : memref<1x6144xf32, #tpu.memory_space<hbm>> -> memref<6144xf32, #tpu.memory_space<hbm>>
        %dma_wait3A_38 = arith.constant 0 : i32
        %dma_wait3A_39 = tpu.memref_slice %arg7[%add3A_19, %dma_wait3A_38] : memref<64x6144xf32, #tpu.memory_space<hbm>> -> memref<1x6144xf32, #tpu.memory_space<hbm>>
        %dma_wait3A_40 = tpu.memref_squeeze %dma_wait3A_39 : memref<1x6144xf32, #tpu.memory_space<hbm>> -> memref<6144xf32, #tpu.memory_space<hbm>>
        %dma_wait3A_41 = arith.constant 4096 : i32
        %dma_wait3A_42 = tpu.memref_slice %arg11[%dma_wait3A_41] : memref<10240xf32, #tpu.memory_space<vmem>> -> memref<6144xf32, #tpu.memory_space<vmem>>
        tpu.wait_dma2 semaphore(%run_scoped3A : memref<!tpu.dma_semaphore, #tpu.memory_space<semaphore_mem>>) src(%dma_wait3A_42 : memref<6144xf32, #tpu.memory_space<vmem>>) dst(%dma_wait3A_40 : memref<6144xf32, #tpu.memory_space<hbm>>)
        tpu.yield
      }) : () -> ()
    }
    %scan3A_6 = arith.constant 2 : i32
    %eq3A_7 = arith.constant 31 : i32
    %eq3A_8 = arith.cmpi eq, %add3A, %eq3A_7 : i32
    %convert_element_type3A_9 = arith.extui %eq3A_8 : i1 to i32
    %cond3A_10 = arith.constant 0 : i32
    %cond3A_11 = arith.cmpi ne, %convert_element_type3A_9, %cond3A_10 : i32
    scf.if %cond3A_11 {
      %scan3A_12 = arith.constant 0 : i32
      %scan3A_13 = arith.constant 48 : i32
      %scan3A_14 = arith.addi %scan3A_12, %scan3A_13 : i32
      %scan3A_15 = arith.constant 1 : i32
      scf.for %scan3A_17 = %scan3A_12 to %scan3A_14 step %scan3A_15  : i32 {
        %mul3A_18 = arith.constant 1 : i32
        %mul3A_19 = arith.muli %scan3A_17, %mul3A_18 : i32
        %add3A_20 = arith.constant 0 : i32
        %add3A_21 = arith.addi %add3A_20, %mul3A_19 : i32
        %mul3A_22 = arith.constant 128 : i32
        %mul3A_23 = arith.muli %add3A_21, %mul3A_22 : i32
        %dma_wait3A = tpu.memref_slice %arg12[%mul3A_23] : memref<6144xf32, #tpu.memory_space<vmem>> -> memref<128xf32, #tpu.memory_space<vmem>>
        %dma_wait3A_24 = arith.constant 0 : i32
        %dma_wait3A_25 = tpu.memref_slice %arg5[%dma_wait3A_24] : memref<100001xf32, #tpu.memory_space<hbm>> -> memref<128xf32, #tpu.memory_space<hbm>>
        %dma_wait3A_26 = tpu.memref_slice %arg12[%mul3A_23] : memref<6144xf32, #tpu.memory_space<vmem>> -> memref<128xf32, #tpu.memory_space<vmem>>
        %dma_wait3A_27 = arith.constant 0 : i32
        %dma_wait3A_28 = tpu.memref_slice %arg5[%dma_wait3A_27] : memref<100001xf32, #tpu.memory_space<hbm>> -> memref<128xf32, #tpu.memory_space<hbm>>
        tpu.wait_dma2 semaphore(%arg13 : memref<!tpu.dma_semaphore, #tpu.memory_space<semaphore_mem>>) src(%dma_wait3A_28 : memref<128xf32, #tpu.memory_space<hbm>>) dst(%dma_wait3A_26 : memref<128xf32, #tpu.memory_space<vmem>>)
      }
      %scan3A_16 = arith.constant 48 : i32
      "tpu.region"() ({
        %run_scoped3A = tpu.sem_alloc : memref<!tpu.dma_semaphore, #tpu.memory_space<semaphore_mem>>
        tpu.enqueue_dma source(%arg12 : memref<6144xf32, #tpu.memory_space<vmem>>) target(%arg8 : memref<6144xf32, #tpu.memory_space<hbm>>) target_semaphore(%run_scoped3A : memref<!tpu.dma_semaphore, #tpu.memory_space<semaphore_mem>>)
        tpu.wait_dma2 semaphore(%run_scoped3A : memref<!tpu.dma_semaphore, #tpu.memory_space<semaphore_mem>>) src(%arg12 : memref<6144xf32, #tpu.memory_space<vmem>>) dst(%arg8 : memref<6144xf32, #tpu.memory_space<hbm>>)
        tpu.yield
      }) : () -> ()
    } else {
    }
    return
  }
}

module attributes {stable_mosaic.version = 14 : i64} {
  func.func @_fused_t_body(%arg0: i32, %arg1: memref<64x4096xf32, #tpu.memory_space<vmem>>, %arg2: memref<64x4096xf32, #tpu.memory_space<vmem>>, %arg3: memref<64x192xf32, #tpu.memory_space<vmem>>, %arg4: memref<64x192xf32, #tpu.memory_space<vmem>>, %arg5: memref<192x1xf32, #tpu.memory_space<vmem>>, %arg6: memref<192x1xf32, #tpu.memory_space<vmem>>, %arg7: memref<64x6144xf32, #tpu.memory_space<vmem>>, %arg8: memref<1x6144xf32, #tpu.memory_space<vmem>>, %arg9: memref<512x6144xf32, #tpu.memory_space<vmem>>, %arg10: memref<64x4096xbf16, #tpu.memory_space<vmem>>) attributes {dimension_semantics = [#tpu.dimension_semantics<arbitrary>], iteration_bounds = array<i64: 8>, scalar_prefetch = 0 : i64, scratch_operands = 1 : i64, tpu.core_type = #tpu.core_type<tc>, window_params = [{pipeline_mode = #tpu.pipeline_mode<synchronous>, transform_indices = @transform_0, window_bounds = array<i64: 64, 4096>}, {pipeline_mode = #tpu.pipeline_mode<synchronous>, transform_indices = @transform_1, window_bounds = array<i64: 64, 4096>}, {pipeline_mode = #tpu.pipeline_mode<synchronous>, transform_indices = @transform_2, window_bounds = array<i64: 64, 192>}, {pipeline_mode = #tpu.pipeline_mode<synchronous>, transform_indices = @transform_3, window_bounds = array<i64: 64, 192>}, {pipeline_mode = #tpu.pipeline_mode<synchronous>, transform_indices = @transform_4, window_bounds = array<i64: 192, 1>}, {pipeline_mode = #tpu.pipeline_mode<synchronous>, transform_indices = @transform_5, window_bounds = array<i64: 192, 1>}, {pipeline_mode = #tpu.pipeline_mode<synchronous>, transform_indices = @transform_6, window_bounds = array<i64: 64, 6144>}, {pipeline_mode = #tpu.pipeline_mode<synchronous>, transform_indices = @transform_7, window_bounds = array<i64: 1, 6144>}, {transform_indices = @transform_8, window_bounds = array<i64: 512, 6144>}]} {
    %eq3A = arith.constant 0 : i32
    %eq3A_0 = arith.cmpi eq, %arg0, %eq3A : i32
    %convert_element_type3A = arith.extui %eq3A_0 : i1 to i32
    %cond3A = arith.constant 0 : i32
    %cond3A_1 = arith.cmpi ne, %convert_element_type3A, %cond3A : i32
    scf.if %cond3A_1 {
      %get3A_16 = arith.constant 0 : index
      %get3A_17 = arith.constant 0 : index
      %get3A_18 = vector.load %arg1[%get3A_16, %get3A_17] : memref<64x4096xf32, #tpu.memory_space<vmem>>, vector<64x4096xf32>
      %get3A_19 = arith.constant 0 : index
      %get3A_20 = arith.constant 0 : index
      %get3A_21 = vector.load %arg2[%get3A_19, %get3A_20] : memref<64x4096xf32, #tpu.memory_space<vmem>>, vector<64x4096xf32>
      %get3A_22 = arith.constant 0 : index
      %get3A_23 = arith.constant 0 : index
      %get3A_24 = vector.load %arg3[%get3A_22, %get3A_23] : memref<64x192xf32, #tpu.memory_space<vmem>>, vector<64x192xf32>
      %dot_general3A_25 = arith.constant dense<0.000000e+00> : vector<192x4096xf32>
      %dot_general3A_26 = tpu.matmul %get3A_24, %get3A_18, %dot_general3A_25 {dimension_numbers = #tpu.dot_dimension_numbers<[0], [0], [1], [1], [0, 1, 1, 1], [], []>, transpose_lhs_hint = false} : vector<64x192xf32>, vector<64x4096xf32>, vector<192x4096xf32> -> vector<192x4096xf32>
      %get3A_27 = arith.constant 0 : index
      %get3A_28 = arith.constant 0 : index
      %get3A_29 = vector.load %arg5[%get3A_27, %get3A_28] : memref<192x1xf32, #tpu.memory_space<vmem>>, vector<192x1xf32>
      %add3A_30 = vector.broadcast %get3A_29 : vector<192x1xf32> to vector<192x4096xf32>
      %add3A_31 = arith.addf %dot_general3A_26, %add3A_30 : vector<192x4096xf32>
      %get3A_32 = arith.constant 0 : index
      %get3A_33 = arith.constant 0 : index
      %get3A_34 = vector.load %arg4[%get3A_32, %get3A_33] : memref<64x192xf32, #tpu.memory_space<vmem>>, vector<64x192xf32>
      %dot_general3A_35 = arith.constant dense<0.000000e+00> : vector<192x4096xf32>
      %dot_general3A_36 = tpu.matmul %get3A_34, %get3A_21, %dot_general3A_35 {dimension_numbers = #tpu.dot_dimension_numbers<[0], [0], [1], [1], [0, 1, 1, 1], [], []>, transpose_lhs_hint = false} : vector<64x192xf32>, vector<64x4096xf32>, vector<192x4096xf32> -> vector<192x4096xf32>
      %get3A_37 = arith.constant 0 : index
      %get3A_38 = arith.constant 0 : index
      %get3A_39 = vector.load %arg6[%get3A_37, %get3A_38] : memref<192x1xf32, #tpu.memory_space<vmem>>, vector<192x1xf32>
      %add3A_40 = vector.broadcast %get3A_39 : vector<192x1xf32> to vector<192x4096xf32>
      %add3A_41 = arith.addf %dot_general3A_36, %add3A_40 : vector<192x4096xf32>
      %slice3A = vector.extract_strided_slice %add3A_31 {offsets = [0, 0], sizes = [64, 4096], strides = [1, 1]} : vector<192x4096xf32> to vector<64x4096xf32>
      %slice3A_42 = vector.extract_strided_slice %add3A_31 {offsets = [64, 0], sizes = [64, 4096], strides = [1, 1]} : vector<192x4096xf32> to vector<64x4096xf32>
      %slice3A_43 = vector.extract_strided_slice %add3A_31 {offsets = [128, 0], sizes = [64, 4096], strides = [1, 1]} : vector<192x4096xf32> to vector<64x4096xf32>
      %slice3A_44 = vector.extract_strided_slice %add3A_41 {offsets = [0, 0], sizes = [64, 4096], strides = [1, 1]} : vector<192x4096xf32> to vector<64x4096xf32>
      %slice3A_45 = vector.extract_strided_slice %add3A_41 {offsets = [64, 0], sizes = [64, 4096], strides = [1, 1]} : vector<192x4096xf32> to vector<64x4096xf32>
      %slice3A_46 = vector.extract_strided_slice %add3A_41 {offsets = [128, 0], sizes = [64, 4096], strides = [1, 1]} : vector<192x4096xf32> to vector<64x4096xf32>
      %add3A_47 = arith.addf %slice3A, %slice3A_44 : vector<64x4096xf32>
      %logistic3A = arith.negf %add3A_47 : vector<64x4096xf32>
      %logistic3A_48 = math.exp %logistic3A : vector<64x4096xf32>
      %logistic3A_49 = arith.constant 1.000000e+00 : f32
      %logistic3A_50 = vector.broadcast %logistic3A_49 : f32 to vector<64x4096xf32>
      %logistic3A_51 = arith.addf %logistic3A_50, %logistic3A_48 : vector<64x4096xf32>
      %logistic3A_52 = arith.divf %logistic3A_50, %logistic3A_51 : vector<64x4096xf32>
      %add3A_53 = arith.addf %slice3A_42, %slice3A_45 : vector<64x4096xf32>
      %logistic3A_54 = arith.negf %add3A_53 : vector<64x4096xf32>
      %logistic3A_55 = math.exp %logistic3A_54 : vector<64x4096xf32>
      %logistic3A_56 = arith.constant 1.000000e+00 : f32
      %logistic3A_57 = vector.broadcast %logistic3A_56 : f32 to vector<64x4096xf32>
      %logistic3A_58 = arith.addf %logistic3A_57, %logistic3A_55 : vector<64x4096xf32>
      %logistic3A_59 = arith.divf %logistic3A_57, %logistic3A_58 : vector<64x4096xf32>
      %mul3A_60 = arith.mulf %logistic3A_52, %slice3A_46 : vector<64x4096xf32>
      %add3A_61 = arith.addf %slice3A_43, %mul3A_60 : vector<64x4096xf32>
      %tanh3A = math.tanh %add3A_61 : vector<64x4096xf32>
      %sub3A = arith.constant 1.000000e+00 : f32
      %sub3A_62 = vector.broadcast %sub3A : f32 to vector<64x4096xf32>
      %sub3A_63 = arith.subf %sub3A_62, %logistic3A_59 : vector<64x4096xf32>
      %mul3A_64 = arith.mulf %sub3A_63, %tanh3A : vector<64x4096xf32>
      %mul3A_65 = arith.mulf %logistic3A_59, %get3A_21 : vector<64x4096xf32>
      %add3A_66 = arith.addf %mul3A_64, %mul3A_65 : vector<64x4096xf32>
      %convert_element_type3A_67 = arith.truncf %add3A_66 : vector<64x4096xf32> to vector<64x4096xbf16>
      %swap3A_68 = arith.constant 0 : index
      %swap3A_69 = arith.constant 0 : index
      %swap3A_70 = vector.load %arg10[%swap3A_68, %swap3A_69] : memref<64x4096xbf16, #tpu.memory_space<vmem>>, vector<64x4096xbf16>
      tpu.vector_store %arg10[%swap3A_68, %swap3A_69], %convert_element_type3A_67 {strides = array<i32>} : memref<64x4096xbf16, #tpu.memory_space<vmem>>, vector<64x4096xbf16>,
    } else {
    }
    %mul3A = arith.constant 512 : i32
    %mul3A_2 = arith.muli %arg0, %mul3A : i32
    %get3A = arith.constant 0 : index
    %get3A_3 = arith.index_cast %mul3A_2 : i32 to index
    %get3A_4 = vector.load %arg10[%get3A, %get3A_3] : memref<64x4096xbf16, #tpu.memory_space<vmem>>, vector<64x512xbf16>
    %get3A_5 = arith.constant 0 : index
    %get3A_6 = arith.constant 0 : index
    %get3A_7 = vector.load %arg7[%get3A_5, %get3A_6] : memref<64x6144xf32, #tpu.memory_space<vmem>>, vector<64x6144xf32>
    %convert_element_type3A_8 = arith.truncf %get3A_7 : vector<64x6144xf32> to vector<64x6144xbf16>
    %dot_general3A = arith.constant dense<0.000000e+00> : vector<512x6144xf32>
    %dot_general3A_9 = tpu.matmul %get3A_4, %convert_element_type3A_8, %dot_general3A {dimension_numbers = #tpu.dot_dimension_numbers<[0], [0], [1], [1], [0, 1, 1, 1], [], []>, transpose_lhs_hint = false} : vector<64x512xbf16>, vector<64x6144xbf16>, vector<512x6144xf32> -> vector<512x6144xf32>
    %get3A_10 = arith.constant 0 : index
    %get3A_11 = arith.constant 0 : index
    %get3A_12 = vector.load %arg8[%get3A_10, %get3A_11] : memref<1x6144xf32, #tpu.memory_space<vmem>>, vector<1x6144xf32>
    %add3A = vector.broadcast %get3A_12 : vector<1x6144xf32> to vector<512x6144xf32>
    %add3A_13 = arith.addf %dot_general3A_9, %add3A : vector<512x6144xf32>
    %swap3A = arith.constant 0 : index
    %swap3A_14 = arith.constant 0 : index
    %swap3A_15 = vector.load %arg9[%swap3A, %swap3A_14] : memref<512x6144xf32, #tpu.memory_space<vmem>>, vector<512x6144xf32>
    tpu.vector_store %arg9[%swap3A, %swap3A_14], %add3A_13 {strides = array<i32>} : memref<512x6144xf32, #tpu.memory_space<vmem>>, vector<512x6144xf32>,
    return
  }
  func.func @transform_0(%arg0: i32) -> (i32, i32) {
    %c0_i32 = arith.constant 0 : i32
    %c0_i32_0 = arith.constant 0 : i32
    %c0_i32_1 = arith.constant 0 : i32
    return %c0_i32, %c0_i32_0 : i32, i32
  }
  func.func @transform_1(%arg0: i32) -> (i32, i32) {
    %c0_i32 = arith.constant 0 : i32
    %c0_i32_0 = arith.constant 0 : i32
    %c0_i32_1 = arith.constant 0 : i32
    return %c0_i32, %c0_i32_0 : i32, i32
  }
  func.func @transform_2(%arg0: i32) -> (i32, i32) {
    %c0_i32 = arith.constant 0 : i32
    %c0_i32_0 = arith.constant 0 : i32
    %c0_i32_1 = arith.constant 0 : i32
    return %c0_i32, %c0_i32_0 : i32, i32
  }
  func.func @transform_3(%arg0: i32) -> (i32, i32) {
    %c0_i32 = arith.constant 0 : i32
    %c0_i32_0 = arith.constant 0 : i32
    %c0_i32_1 = arith.constant 0 : i32
    return %c0_i32, %c0_i32_0 : i32, i32
  }
  func.func @transform_4(%arg0: i32) -> (i32, i32) {
    %c0_i32 = arith.constant 0 : i32
    %c0_i32_0 = arith.constant 0 : i32
    %c0_i32_1 = arith.constant 0 : i32
    return %c0_i32, %c0_i32_0 : i32, i32
  }
  func.func @transform_5(%arg0: i32) -> (i32, i32) {
    %c0_i32 = arith.constant 0 : i32
    %c0_i32_0 = arith.constant 0 : i32
    %c0_i32_1 = arith.constant 0 : i32
    return %c0_i32, %c0_i32_0 : i32, i32
  }
  func.func @transform_6(%arg0: i32) -> (i32, i32) {
    %c0_i32 = arith.constant 0 : i32
    %c0_i32_0 = arith.constant 0 : i32
    %c0_i32_1 = arith.constant 0 : i32
    return %c0_i32, %c0_i32_0 : i32, i32
  }
  func.func @transform_7(%arg0: i32) -> (i32, i32) {
    %c0_i32 = arith.constant 0 : i32
    %c0_i32_0 = arith.constant 0 : i32
    %c0_i32_1 = arith.constant 0 : i32
    return %c0_i32, %c0_i32_0 : i32, i32
  }
  func.func @transform_8(%arg0: i32) -> (i32, i32) {
    %c0_i32 = arith.constant 0 : i32
    %c0_i32_0 = arith.constant 0 : i32
    return %arg0, %c0_i32 : i32, i32
  }
}

</mosaic_0001>

<sc_bundles>
// kernel: kernel.4.cloned.1.call-start
scs
__scs_entry_jumppad:
0x0: {  	(pc) =	sbr.rel $0x88, $3  }
0x1: {  	(tag) =	ssettag $0x0;
	lr =	simm.s32 $0x1  }
0x2: {  	[smem:$0x3F98] =	sst lr;
	_ =	strace $0xD0000000  }
0x3: {  	_ = 	snop  }
0x4: {  	_ = 	snop  }
0x5: {  	_ = 	snop  }
0x6: {  	_ = 	snop  }
0x7: {  	_ = 	snop  }
__scs_overlays_trampoline_lowered:
0x8: {  	[smem:$0x3FA7] =	sst s0  }
0x9: {  	[smem:$0x3FA8] =	sst s1  }
0xa: {  	[smem:$0x3FA9] =	sst s2  }
0xb: {  	[smem:$0x3FAA] =	sst s3  }
0xc: {  	[smem:$0x3FAB] =	sst s4  }
0xd: {  	[smem:$0x3FAC] =	sst s5  }
0xe: {  	[smem:$0x3FAD] =	sst s6  }
0xf: {  	[smem:$0x3FAE] =	sst s7  }
0x10: {  	[smem:$0x3FAF] =	sst s8  }
0x11: {  	[smem:$0x3FB0] =	sst s9;
	s0 =	simm.s32 @!p0 $0x0  }
0x12: {  	s1 =	sld [smem:$0x3F96];
	s0 =	simm.s32 @p0 $0x1  }
0x13: {  	[smem:$0x3FB1] =	sst s0;
	s0 =	simm.s32 @!p1 $0x0  }
0x14: {  	s2 =	sld [smem:$0x3F95];
	s0 =	simm.s32 @p1 $0x1  }
0x15: {  	[smem:$0x3FB2] =	sst s0;
	s0 =	simm.s32 @!p2 $0x0  }
0x16: {  	s3 =	sld [smem:$0x3FDB];
	s0 =	simm.s32 @p2 $0x1  }
0x17: {  	s4 =	simm.s32 $0x1BF5;
	[smem:$0x3FB4] =	sst s0  }
0x18: {  	s0 =	sld [smem:$0x3F97];
	_ =	swait.ge [sflag:s4], $0x0  }
0x19: {  	s7 =	sld [smem:$0x3F98]  }
0x1a: {  	s8 =	sadd.s32 $0xFFFFE003, lr  }
0x1b: {  	s9 =	sadd.s32 $0xFFFFFEF7, lr;
	s5 =	simm.s32 $0xFFFFFFFF;
	p2 =	slt.u32 s8, $0xFFFFF086  }
0x1c: {  	p1 =	slt.u32 s9, $0xF7A;
	s5 =	simm.s32 @!p2 $0x0  }
0x1d: {  	s5 =	simm.s32 @p1 $0x1;
	p0 =	seq.s32 s7, s2  }
0x1e: {  	s7 =	smul.u32 @!p0 $0xF7A, s2;
	p2 =	seq.s32 @!p0 s5, $0x0  }
0x1f: {  	s9 =	smul.u32 $0xF7A, s1;
	s8 =	simm.s32 @!p0 $0x1BF5;
	p2 =	por !p2, p0  }
0x20: {  	[sflag:s8] =	ssyncset.s32 @!p0 $0xFFFFF086;
	s6 =	sadd.s32 @!p0 s3, s7;
	s7 =	simm.s32 @!p0 $0x108  }
0x21: {  	s3 =	sadd.s32 s3, s9;
	s6 =	sadd.s32 @!p0 $0x88, s6;
	s7 =	simm.s32 @p2 $0x1082  }
0x22: {  	[simem:s7], [sflag:s8] =	dma.local @!p0 [hbm:s6], $0xF7A  }
0x23: {  	s9 =	sor.u32 $0xD0000000, s2;
	s6 =	simm.s32 $0x108;
	_ =	swait.ge @!p0 [sflag:s8], $0x0  }
0x24: {  	s3 =	sadd.s32 $0x88, s3;
	s6 =	simm.s32 @!p1 $0x1082;
	[sflag:s4] =	ssyncset.s32 $0xFFFFF086  }
0x25: {  	[simem:s6], [sflag:s4] =	dma.local [hbm:s3], $0xF7A  }
0x26: {  	[smem:$0x3F98] =	sst s1;
	(tag) =	ssettag s2;
	_ =	strace s9  }
0x27: {  	s1 =	sld [smem:$0x3FA8]  }
0x28: {  	s2 =	sld [smem:$0x3FA9]  }
0x29: {  	s4 =	sld [smem:$0x3FAB]  }
0x2a: {  	p0 =	seq.s32 s5, $0x0;
	s5 =	sld [smem:$0x3FAC]  }
0x2b: {  	s6 =	sld [smem:$0x3FAD]  }
0x2c: {  	s7 =	sld [smem:$0x3FAE]  }
0x2d: {  	s3 =	simm.s32 $0x108;
	s8 =	sld [smem:$0x3FAF]  }
0x2e: {  	s3 =	simm.s32 @!p0 $0x1082;
	s9 =	sld [smem:$0x3FB0]  }
0x2f: {  	lr =	sadd.s32 s0, s3;
	s0 =	sld [smem:$0x3FA7]  }
0x30: {  	s3 =	sld [smem:$0x3FAA]  }
0x31: {  	[smem:$0x3FB3] =	sst s10  }
0x32: {  	s10 =	sld [smem:$0x3FB1];
	_ =	sdelay $0x3  }
0x33: {  	p0 =	seq.s32 s10, $0x1;
	s10 =	sld [smem:$0x3FB3];
	_ =	sdelay $0x3  }
0x34: {  	[smem:$0x3FB3] =	sst s10  }
0x35: {  	s10 =	sld [smem:$0x3FB2];
	_ =	sdelay $0x3  }
0x36: {  	p1 =	seq.s32 s10, $0x1;
	s10 =	sld [smem:$0x3FB3];
	_ =	sdelay $0x3  }
0x37: {  	[smem:$0x3FB3] =	sst s10  }
0x38: {  	s10 =	sld [smem:$0x3FB4]  }
0x39: {  	_ = 	snop;
	(pc) =	sbr.ind lr, $3  }
0x3a: {  	_ = 	snop  }
0x3b: {  	_ = 	snop  }
0x3c: {  	p2 =	seq.s32 s10, $0x1;
	s10 =	sld [smem:$0x3FB3]  }
0x3d: {  	_ =	shalt  }
0x3e: {  	_ =	shalt  }
0x3f: {  	_ =	shalt  }
0x40: {  	_ =	shalt  }
0x41: {  	_ =	shalt  }
0x42: {  	_ =	shalt  }
0x43: {  	_ =	shalt  }
0x44: {  	_ =	shalt  }
0x45: {  	_ =	shalt  }
0x46: {  	_ =	shalt  }
0x47: {  	_ =	shalt  }
0x48: {  	_ =	shalt  }
0x49: {  	_ =	shalt  }
0x4a: {  	_ =	shalt  }
0x4b: {  	_ =	shalt  }
0x4c: {  	_ =	shalt  }
0x4d: {  	_ =	shalt  }
0x4e: {  	_ =	shalt  }
0x4f: {  	_ =	shalt  }
0x50: {  	_ =	shalt  }
0x51: {  	_ =	shalt  }
0x52: {  	_ =	shalt  }
0x53: {  	_ =	shalt  }
0x54: {  	_ =	shalt  }
0x55: {  	_ =	shalt  }
0x56: {  	_ =	shalt  }
0x57: {  	_ =	shalt  }
0x58: {  	_ =	shalt  }
0x59: {  	_ =	shalt  }
0x5a: {  	_ =	shalt  }
0x5b: {  	_ =	shalt  }
0x5c: {  	_ =	shalt  }
0x5d: {  	_ =	shalt  }
0x5e: {  	_ =	shalt  }
0x5f: {  	_ =	shalt  }
0x60: {  	_ =	shalt  }
0x61: {  	_ =	shalt  }
0x62: {  	_ =	shalt  }
0x63: {  	_ =	shalt  }
0x64: {  	_ =	shalt  }
0x65: {  	_ =	shalt  }
0x66: {  	_ =	shalt  }
0x67: {  	_ =	shalt  }
0x68: {  	_ =	shalt  }
0x69: {  	_ =	shalt  }
0x6a: {  	_ =	shalt  }
0x6b: {  	_ =	shalt  }
0x6c: {  	_ =	shalt  }
0x6d: {  	_ =	shalt  }
0x6e: {  	_ =	shalt  }
0x6f: {  	_ =	shalt  }
0x70: {  	_ =	shalt  }
0x71: {  	_ =	shalt  }
0x72: {  	_ =	shalt  }
0x73: {  	_ =	shalt  }
0x74: {  	_ =	shalt  }
0x75: {  	_ =	shalt  }
0x76: {  	_ =	shalt  }
0x77: {  	_ =	shalt  }
0x78: {  	_ =	shalt  }
0x79: {  	_ =	shalt  }
0x7a: {  	_ =	shalt  }
0x7b: {  	_ =	shalt  }
0x7c: {  	_ =	shalt  }
0x7d: {  	_ =	shalt  }
0x7e: {  	_ =	shalt  }
0x7f: {  	_ =	shalt  }
0x80: {  	_ =	shalt  }
0x81: {  	_ =	shalt  }
0x82: {  	_ =	shalt  }
0x83: {  	_ =	shalt  }
0x84: {  	_ =	shalt  }
0x85: {  	_ =	shalt  }
0x86: {  	_ =	shalt  }
0x87: {  	_ =	shalt  }
.Lfunc_end0:
.L_simem_size_0:
called_computation_lowered:
.L_overlay_start_0:
0x88: {  	s2 =	sld [smem:$0x3FD9]  }
0x89: {  	s3 =	sld [smem:$0x3FFE];
	_ =	sdelay $0x1  }
0x8a: {  	s1 =	srdreg.scid  }
0x8b: {  	s0 =	sand.u32 $0x1, s1  }
0x8c: {  	s17 =	sshll.u32 s0, $0xA;
	s2 =	sadd.s32 s3, s2  }
0x8d: {  	s2 =	sadd.s32 s2, s17  }
0x8e: {  	[smem:$0x3FBF] =	sst s2  }
0x8f: {  	_ = 	snop  }
0x90: {  	s2 =	sld [smem:$0x3FC9]  }
0x91: {  	s18 =	sld [smem:$0x3FC7]  }
0x92: {  	s4 =	sld [smem:$0x3FC6]  }
0x93: {  	s5 =	sld [smem:$0x3FD0];
	(tm) =	ssettm $0x1  }
0x94: {  	s6 =	sld [smem:$0x3FFB];
	_ =	sdelay $0x3  }
0x95: {  	_ =	strace s6  }
0x96: {  	s6 =	sld [smem:$0x3FFC];
	_ =	sdelay $0x3  }
0x97: {  	_ =	strace s6  }
0x98: {  	s6 =	sld [smem:$0x3FFD];
	_ =	sdelay $0x3  }
0x99: {  	_ =	strace s6  }
0x9a: {  	_ =	strace $0x8FFFFFFF  }
0x9b: {  	s19 =	sld [smem:$0x3FDB];
	_ =	sdelay $0x1  }
0x9c: {  	s7 =	simm.s32 $_scs_section_size  }
0x9d: {  	s8 =	simm.s32 $_size__tile_overlayer_lowered;
	s9 =	simm.s32 $_tile_overlayer_lowered  }
0x9e: {  	s22 =	simm.s32 $0x1BFF;
	s21 =	sshll.u32 s9, $0x1;
	s6 =	sadd.s32 s7, s19  }
0x9f: {  	s10 =	simm.s32 $0x0;
	s20 =	sshll.u32 s8, $0x1;
	s8 =	sadd.s32 s21, s6  }
0xa0: {  	[timem:s10], [sflag:s22] =	dma.local [hbm:s8], s20  }
0xa1: {  	_ =	swait.ge [sflag:s22], s20  }
0xa2: {  	s7 =	ssub.s32 $0x0, s20;
	[sflag:s22] =	ssyncset.done $0x0  }
0xa3: {  	[sflag:s22] =	ssyncadd.s32 s7;
	_ =	sdelay $0x1  }
0xa4: {  	s23 =	simm.s32 $0x1B8B  }
0xa5: {  	_ =	swait.ge [sflag:s23], $0x1  }
0xa6: {  	[sflag:s23] =	ssyncset.done $0x0  }
0xa7: {  	s25 =	simm.s32 $0x1B8E;
	s24 =	sld [smem:$0x3FFE];
	[sflag:s23] =	ssyncadd.s32 $0xFFFFFFFF  }
0xa8: {  	s26 =	simm.s32 $execute0_lowered;
	[smem:$0x3FD2] =	sst s25  }
0xa9: {  	s8 =	sshll.u32 s26, $0x1;
	_ =	strace $0x80000046;
	[dreg:$0x1] =	wrdreg $0xFFFFFFFF  }
0xaa: {  	s28 =	simm.s32 $_size_execute0_lowered;
	s6 =	sadd.s32 s6, s8;
	[dreg:$0x0] =	wrdreg $0x0  }
0xab: {  	s8 =	sshll.u32 s28, $0x1;
	[dreg:$0x2] =	wrdreg s6  }
0xac: {  	[dreg:$0x3] =	wrdreg s8  }
0xad: {  	[dreg:$0x4] =	wrdreg $0xC0  }
0xae: {  	_ =	task [dreg:s10], $0x5FFFF  }
0xaf: {  	[dreg:$0x1] =	wrdreg $0xFFFFFFFF  }
0xb0: {  	[dreg:$0x0] =	wrdreg $0x60  }
0xb1: {  	[dreg:$0x2] =	wrdreg s4  }
0xb2: {  	[dreg:$0x3] =	wrdreg s2  }
0xb3: {  	[dreg:$0x4] =	wrdreg s18  }
0xb4: {  	[dreg:$0x5] =	wrdreg s24  }
0xb5: {  	[dreg:$0x6] =	wrdreg s5  }
0xb6: {  	[dreg:$0x7] =	wrdreg $0x9  }
0xb7: {  	_ =	task.clear_ibuf [dreg:s10], $0x8FFFF;
	_ =	strace $0x90000046  }
0xb8: {  	s29 =	simm.s32 $0x9;
	_ =	strace $0x80000048  }
0xb9: {  	_ =	swait.ge [sflag:s29], $0x1  }
0xba: {  	[sflag:s29] =	ssyncadd.s32 $0xFFFFFFFF  }
0xbb: {  	_ =	strace $0x90000048  }
0xbc: {  	_ =	sfence  }
0xbd: {  	s30 =	sld [smem:$0x0];
	_ =	sdelay $0x2  }
0xbe: {  	s31 =	sshll.u32 s1, $0xD;
	s1 =	sshrl.u32 s1, $0x2  }
0xbf: {  	s3 =	sand.u32 $0x4000, s31;
	s1 =	sadd.s32 s1, s30  }
0xc0: {  	s0 =	sor.u32 s3, s0;
	s1 =	sshll.u32 s1, $0x11  }
0xc1: {  	s0 =	sor.u32 s1, s0  }
0xc2: {  	s0 =	sadd.s32 $0x8F2B, s0  }
0xc3: {  	[sflag:s0] =	ssyncadd.remote.s32 $0x1  }
0xc4: {  	_ =	sfence.sel $0xFFFF  }
0xc5: {  	[dreg:$0x0] =	wrdreg $0xFFFFFFFF;
	(pc) =	sbr.abs _section_cstart, $3  }
0xc6: {  	[dreg:$0x1] =	wrdreg $0xFFFFFFFF  }
0xc7: {  	_ =	task.clear_ibuf [dreg:s10], $0x2FFFF;
	_ =	strace $0x9FFFFFFF  }
0xc8: {  	(tm) =	ssettm $0x7FFFFFFF  }
0xc9: {  	_ =	shalt  }
tec
execute0_lowered:
.L_overlay_start_1:
0x0: {  	(tag) =	ssettag $0x1  }
0x1: {  	s1 =	rddreg [dreg:$0x0]  }
0x2: {  	s2 =	rddreg [dreg:$0x1]  }
0x3: {  	s3 =	rddreg [dreg:$0x2]  }
0x4: {  	s0 =	rddreg [dreg:$0x3]  }
0x5: {  	s4 =	rddreg [dreg:$0x4];
	s5 =	simm.s32 $0x0  }
0x6: {  	s6 =	srdreg.scid;
	s11 =	stileid.u32;
	s15 =	simm.s32 $0x18700  }
0x7: {  	s16 =	simm.s32 $0x2;
	s17 =	simm.s32 $0x19700;
	s18 =	simm.s32 $0x80  }
0x8: {  	s19 =	simm.s32 $0x1D700;
	s20 =	simm.s32 $0x1EE00;
	s21 =	simm.s32 $0x1AE80  }
0x9: {  	s22 =	simm.s32 $0x1EE80;
	s23 =	simm.s32 $0x400;
	s24 =	simm.s32 $0x1AF00  }
0xa: {  	s25 =	simm.s32 $0x1BF00;
	s28 =	simm.s32 $0x0;
	s29 =	simm.s32 $0x0  }
0xb: {  	[smem:$0x7FF] =	sst s5;
	s7 =	sadd.s32 $0x1400, s0;
	s8 =	sadd.s32 $0x4600, s0  }
0xc: {  	s6 =	sand.u32 $0x1, s6;
	s10 =	sshll.u32 s11, $0x1;
	s9 =	sadd.s32 $0xC600, s0  }
.Ltmp0:
0xd: {  	s13 =	sshrl.u32 s11, $0x1;
	_ =	strace $0x80000047;
	(pc) =	sbr.rel .LBB2_1-.Ltmp0, $4  }
0xe: {  	s26 =	ssub.s32 $0x2, s6;
	s6 =	sor.u32 s6, s10;
	s11 =	smul.u32 $0xC3800, s13  }
0xf: {  	s12 =	sshll.u32 s13, $0xF;
	s13 =	smul.u32 $0xC000, s13;
	s30 =	sshrl.u32 s26, $0x1  }
0x10: {  	s31 =	sshll.u32 s6, $0x8;
	p0 =	sne.s32 s6, $0x1F;
	s0 =	ssub.s32 s26, s30  }
0x11: {  	s10 =	sand.u32 $0x300, s31;
	s26 =	simm.s32 $0x1;
	s14 =	smax.u32 s0, $0x1  }
.LBB2_11:
0x12: {  	s28 =	sadd.s32 $0x1, s28  }
0x13: {  	p1 =	sne.s32 s28, s14  }
.Ltmp1:
0x14: {  	_ = 	snop;
	(pc) =	sbr.rel @!p1 .LBB2_12-.Ltmp1, $1  }
0x15: {  	_ =	sdelay $0x3  }
.LBB2_1:
0x16: {  	[tilespmem:s15], [sflag:$0x2] =	stream.linear.gather [hbm4b:s2+s5], $0x1000, $0x38;
	[tilespmem:$0x1EF00] =	vst v63  }
0x17: {  	_ =	swait.ge [sflag:s16], $0x1000  }
0x18: {  	[sflag:s16] =	ssyncset.done $0x0  }
.Ltmp2:
0x19: {  	[sflag:s16] =	ssyncadd.s32 $0xFFFFF000;
	(pc) =	sbr.rel @p0 .LBB2_3-.Ltmp2, $4  }
0x1a: {  	[tilespmem:s17], [sflag:$0x2] =	stream.linear.gather [hbm4b:s3+s5], $0x1800, $0x38;
	[tilespmem:$0x1EF00] =	vst v63  }
0x1b: {  	_ =	swait.ge [sflag:s16], $0x1800  }
0x1c: {  	[sflag:s16] =	ssyncset.done $0x0  }
0x1d: {  	[sflag:s16] =	ssyncadd.s32 $0xFFFFE800  }
0x1e: {  	[tilespmem:s19], [sflag:$0x1] =	stream.indirect.gather [hbm4b:s7+s18], $0x1, s17, s18, $0xb8;
	[tilespmem:$0x1EF00] =	vst v63  }
0x1f: {  	s0 =	simm.s32 $0x19780;
	s6 =	simm.s32 $0x1D780  }
0x20: {  	[tilespmem:s6], [sflag:$0x1] =	stream.indirect.gather [hbm4b:s7+s18], $0x1, s0, s18, $0xb8;
	[tilespmem:$0x1EF00] =	vst v63  }
0x21: {  	s30 =	simm.s32 $0x19800;
	s31 =	simm.s32 $0x1D800  }
0x22: {  	[tilespmem:s31], [sflag:$0x1] =	stream.indirect.gather [hbm4b:s7+s18], $0x1, s30, s18, $0xb8;
	[tilespmem:$0x1EF00] =	vst v63  }
0x23: {  	s30 =	simm.s32 $0x19880;
	s31 =	simm.s32 $0x1D880  }
0x24: {  	[tilespmem:s31], [sflag:$0x1] =	stream.indirect.gather [hbm4b:s7+s18], $0x1, s30, s18, $0xb8;
	[tilespmem:$0x1EF00] =	vst v63  }
0x25: {  	s30 =	simm.s32 $0x19900;
	s31 =	simm.s32 $0x1D900  }
0x26: {  	[tilespmem:s31], [sflag:$0x1] =	stream.indirect.gather [hbm4b:s7+s18], $0x1, s30, s18, $0xb8;
	[tilespmem:$0x1EF00] =	vst v63  }
0x27: {  	s30 =	simm.s32 $0x19980;
	s31 =	simm.s32 $0x1D980  }
0x28: {  	[tilespmem:s31], [sflag:$0x1] =	stream.indirect.gather [hbm4b:s7+s18], $0x1, s30, s18, $0xb8;
	[tilespmem:$0x1EF00] =	vst v63  }
0x29: {  	s30 =	simm.s32 $0x19A00;
	s31 =	simm.s32 $0x1DA00  }
0x2a: {  	[tilespmem:s31], [sflag:$0x1] =	stream.indirect.gather [hbm4b:s7+s18], $0x1, s30, s18, $0xb8;
	[tilespmem:$0x1EF00] =	vst v63  }
0x2b: {  	s30 =	simm.s32 $0x19A80;
	s31 =	simm.s32 $0x1DA80  }
0x2c: {  	[tilespmem:s31], [sflag:$0x1] =	stream.indirect.gather [hbm4b:s7+s18], $0x1, s30, s18, $0xb8;
	[tilespmem:$0x1EF00] =	vst v63  }
0x2d: {  	s30 =	simm.s32 $0x19B00;
	s31 =	simm.s32 $0x1DB00  }
0x2e: {  	[tilespmem:s31], [sflag:$0x1] =	stream.indirect.gather [hbm4b:s7+s18], $0x1, s30, s18, $0xb8;
	[tilespmem:$0x1EF00] =	vst v63  }
0x2f: {  	s30 =	simm.s32 $0x19B80;
	s31 =	simm.s32 $0x1DB80  }
0x30: {  	[tilespmem:s31], [sflag:$0x1] =	stream.indirect.gather [hbm4b:s7+s18], $0x1, s30, s18, $0xb8;
	[tilespmem:$0x1EF00] =	vst v63  }
0x31: {  	s30 =	simm.s32 $0x19C00;
	s31 =	simm.s32 $0x1DC00  }
0x32: {  	[tilespmem:s31], [sflag:$0x1] =	stream.indirect.gather [hbm4b:s7+s18], $0x1, s30, s18, $0xb8;
	[tilespmem:$0x1EF00] =	vst v63  }
0x33: {  	s30 =	simm.s32 $0x19C80;
	s31 =	simm.s32 $0x1DC80  }
0x34: {  	[tilespmem:s31], [sflag:$0x1] =	stream.indirect.gather [hbm4b:s7+s18], $0x1, s30, s18, $0xb8;
	[tilespmem:$0x1EF00] =	vst v63  }
0x35: {  	s30 =	simm.s32 $0x19D00;
	s31 =	simm.s32 $0x1DD00  }
0x36: {  	[tilespmem:s31], [sflag:$0x1] =	stream.indirect.gather [hbm4b:s7+s18], $0x1, s30, s18, $0xb8;
	[tilespmem:$0x1EF00] =	vst v63  }
0x37: {  	s30 =	simm.s32 $0x19D80;
	s31 =	simm.s32 $0x1DD80  }
0x38: {  	[tilespmem:s31], [sflag:$0x1] =	stream.indirect.gather [hbm4b:s7+s18], $0x1, s30, s18, $0xb8;
	[tilespmem:$0x1EF00] =	vst v63  }
0x39: {  	s30 =	simm.s32 $0x19E00;
	s31 =	simm.s32 $0x1DE00  }
0x3a: {  	[tilespmem:s31], [sflag:$0x1] =	stream.indirect.gather [hbm4b:s7+s18], $0x1, s30, s18, $0xb8;
	[tilespmem:$0x1EF00] =	vst v63  }
0x3b: {  	s30 =	simm.s32 $0x19E80;
	s31 =	simm.s32 $0x1DE80  }
0x3c: {  	[tilespmem:s31], [sflag:$0x1] =	stream.indirect.gather [hbm4b:s7+s18], $0x1, s30, s18, $0xb8;
	[tilespmem:$0x1EF00] =	vst v63  }
0x3d: {  	s30 =	simm.s32 $0x19F00;
	s31 =	simm.s32 $0x1DF00  }
0x3e: {  	[tilespmem:s31], [sflag:$0x1] =	stream.indirect.gather [hbm4b:s7+s18], $0x1, s30, s18, $0xb8;
	[tilespmem:$0x1EF00] =	vst v63  }
0x3f: {  	s30 =	simm.s32 $0x19F80;
	s31 =	simm.s32 $0x1DF80  }
0x40: {  	[tilespmem:s31], [sflag:$0x1] =	stream.indirect.gather [hbm4b:s7+s18], $0x1, s30, s18, $0xb8;
	[tilespmem:$0x1EF00] =	vst v63  }
0x41: {  	s30 =	simm.s32 $0x1A000;
	s31 =	simm.s32 $0x1E000  }
0x42: {  	[tilespmem:s31], [sflag:$0x1] =	stream.indirect.gather [hbm4b:s7+s18], $0x1, s30, s18, $0xb8;
	[tilespmem:$0x1EF00] =	vst v63  }
0x43: {  	s30 =	simm.s32 $0x1A080;
	s31 =	simm.s32 $0x1E080  }
0x44: {  	[tilespmem:s31], [sflag:$0x1] =	stream.indirect.gather [hbm4b:s7+s18], $0x1, s30, s18, $0xb8;
	[tilespmem:$0x1EF00] =	vst v63  }
0x45: {  	s30 =	simm.s32 $0x1A100;
	s31 =	simm.s32 $0x1E100  }
0x46: {  	[tilespmem:s31], [sflag:$0x1] =	stream.indirect.gather [hbm4b:s7+s18], $0x1, s30, s18, $0xb8;
	[tilespmem:$0x1EF00] =	vst v63  }
0x47: {  	s30 =	simm.s32 $0x1A180;
	s31 =	simm.s32 $0x1E180  }
0x48: {  	[tilespmem:s31], [sflag:$0x1] =	stream.indirect.gather [hbm4b:s7+s18], $0x1, s30, s18, $0xb8;
	[tilespmem:$0x1EF00] =	vst v63  }
0x49: {  	s30 =	simm.s32 $0x1A200;
	s31 =	simm.s32 $0x1E200  }
0x4a: {  	[tilespmem:s31], [sflag:$0x1] =	stream.indirect.gather [hbm4b:s7+s18], $0x1, s30, s18, $0xb8;
	[tilespmem:$0x1EF00] =	vst v63  }
0x4b: {  	s30 =	simm.s32 $0x1A280;
	s31 =	simm.s32 $0x1E280  }
0x4c: {  	[tilespmem:s31], [sflag:$0x1] =	stream.indirect.gather [hbm4b:s7+s18], $0x1, s30, s18, $0xb8;
	[tilespmem:$0x1EF00] =	vst v63  }
0x4d: {  	s30 =	simm.s32 $0x1A300;
	s31 =	simm.s32 $0x1E300  }
0x4e: {  	[tilespmem:s31], [sflag:$0x1] =	stream.indirect.gather [hbm4b:s7+s18], $0x1, s30, s18, $0xb8;
	[tilespmem:$0x1EF00] =	vst v63  }
0x4f: {  	s30 =	simm.s32 $0x1A380;
	s31 =	simm.s32 $0x1E380  }
0x50: {  	[tilespmem:s31], [sflag:$0x1] =	stream.indirect.gather [hbm4b:s7+s18], $0x1, s30, s18, $0xb8;
	[tilespmem:$0x1EF00] =	vst v63  }
0x51: {  	s30 =	simm.s32 $0x1A400;
	s31 =	simm.s32 $0x1E400  }
0x52: {  	[tilespmem:s31], [sflag:$0x1] =	stream.indirect.gather [hbm4b:s7+s18], $0x1, s30, s18, $0xb8;
	[tilespmem:$0x1EF00] =	vst v63  }
0x53: {  	s30 =	simm.s32 $0x1A480;
	s31 =	simm.s32 $0x1E480  }
0x54: {  	[tilespmem:s31], [sflag:$0x1] =	stream.indirect.gather [hbm4b:s7+s18], $0x1, s30, s18, $0xb8;
	[tilespmem:$0x1EF00] =	vst v63  }
0x55: {  	s30 =	simm.s32 $0x1A500;
	s31 =	simm.s32 $0x1E500  }
0x56: {  	[tilespmem:s31], [sflag:$0x1] =	stream.indirect.gather [hbm4b:s7+s18], $0x1, s30, s18, $0xb8;
	[tilespmem:$0x1EF00] =	vst v63  }
0x57: {  	s30 =	simm.s32 $0x1A580;
	s31 =	simm.s32 $0x1E580  }
0x58: {  	[tilespmem:s31], [sflag:$0x1] =	stream.indirect.gather [hbm4b:s7+s18], $0x1, s30, s18, $0xb8;
	[tilespmem:$0x1EF00] =	vst v63  }
0x59: {  	s30 =	simm.s32 $0x1A600;
	s31 =	simm.s32 $0x1E600  }
0x5a: {  	[tilespmem:s31], [sflag:$0x1] =	stream.indirect.gather [hbm4b:s7+s18], $0x1, s30, s18, $0xb8;
	[tilespmem:$0x1EF00] =	vst v63  }
0x5b: {  	s30 =	simm.s32 $0x1A680;
	s31 =	simm.s32 $0x1E680  }
0x5c: {  	[tilespmem:s31], [sflag:$0x1] =	stream.indirect.gather [hbm4b:s7+s18], $0x1, s30, s18, $0xb8;
	[tilespmem:$0x1EF00] =	vst v63  }
0x5d: {  	s30 =	simm.s32 $0x1A700;
	s31 =	simm.s32 $0x1E700  }
0x5e: {  	[tilespmem:s31], [sflag:$0x1] =	stream.indirect.gather [hbm4b:s7+s18], $0x1, s30, s18, $0xb8;
	[tilespmem:$0x1EF00] =	vst v63  }
0x5f: {  	s30 =	simm.s32 $0x1A780;
	s31 =	simm.s32 $0x1E780  }
0x60: {  	[tilespmem:s31], [sflag:$0x1] =	stream.indirect.gather [hbm4b:s7+s18], $0x1, s30, s18, $0xb8;
	[tilespmem:$0x1EF00] =	vst v63  }
0x61: {  	s30 =	simm.s32 $0x1A800;
	s31 =	simm.s32 $0x1E800  }
0x62: {  	[tilespmem:s31], [sflag:$0x1] =	stream.indirect.gather [hbm4b:s7+s18], $0x1, s30, s18, $0xb8;
	[tilespmem:$0x1EF00] =	vst v63  }
0x63: {  	s30 =	simm.s32 $0x1A880;
	s31 =	simm.s32 $0x1E880  }
0x64: {  	[tilespmem:s31], [sflag:$0x1] =	stream.indirect.gather [hbm4b:s7+s18], $0x1, s30, s18, $0xb8;
	[tilespmem:$0x1EF00] =	vst v63  }
0x65: {  	s30 =	simm.s32 $0x1A900;
	s31 =	simm.s32 $0x1E900  }
0x66: {  	[tilespmem:s31], [sflag:$0x1] =	stream.indirect.gather [hbm4b:s7+s18], $0x1, s30, s18, $0xb8;
	[tilespmem:$0x1EF00] =	vst v63  }
0x67: {  	s30 =	simm.s32 $0x1A980;
	s31 =	simm.s32 $0x1E980  }
0x68: {  	[tilespmem:s31], [sflag:$0x1] =	stream.indirect.gather [hbm4b:s7+s18], $0x1, s30, s18, $0xb8;
	[tilespmem:$0x1EF00] =	vst v63  }
0x69: {  	s30 =	simm.s32 $0x1AA00;
	s31 =	simm.s32 $0x1EA00  }
0x6a: {  	[tilespmem:s31], [sflag:$0x1] =	stream.indirect.gather [hbm4b:s7+s18], $0x1, s30, s18, $0xb8;
	[tilespmem:$0x1EF00] =	vst v63  }
0x6b: {  	s30 =	simm.s32 $0x1AA80;
	s31 =	simm.s32 $0x1EA80  }
0x6c: {  	[tilespmem:s31], [sflag:$0x1] =	stream.indirect.gather [hbm4b:s7+s18], $0x1, s30, s18, $0xb8;
	[tilespmem:$0x1EF00] =	vst v63  }
0x6d: {  	s30 =	simm.s32 $0x1AB00;
	s31 =	simm.s32 $0x1EB00  }
0x6e: {  	[tilespmem:s31], [sflag:$0x1] =	stream.indirect.gather [hbm4b:s7+s18], $0x1, s30, s18, $0xb8;
	[tilespmem:$0x1EF00] =	vst v63  }
0x6f: {  	s30 =	simm.s32 $0x1AB80;
	s31 =	simm.s32 $0x1EB80  }
0x70: {  	[tilespmem:s31], [sflag:$0x1] =	stream.indirect.gather [hbm4b:s7+s18], $0x1, s30, s18, $0xb8;
	[tilespmem:$0x1EF00] =	vst v63  }
0x71: {  	s30 =	simm.s32 $0x1AC00;
	s31 =	simm.s32 $0x1EC00  }
0x72: {  	[tilespmem:s31], [sflag:$0x1] =	stream.indirect.gather [hbm4b:s7+s18], $0x1, s30, s18, $0xb8;
	[tilespmem:$0x1EF00] =	vst v63  }
0x73: {  	s30 =	simm.s32 $0x1AC80;
	s31 =	simm.s32 $0x1EC80  }
0x74: {  	[tilespmem:s31], [sflag:$0x1] =	stream.indirect.gather [hbm4b:s7+s18], $0x1, s30, s18, $0xb8;
	[tilespmem:$0x1EF00] =	vst v63  }
0x75: {  	s30 =	simm.s32 $0x1AD00;
	s31 =	simm.s32 $0x1ED00  }
0x76: {  	[tilespmem:s31], [sflag:$0x1] =	stream.indirect.gather [hbm4b:s7+s18], $0x1, s30, s18, $0xb8;
	[tilespmem:$0x1EF00] =	vst v63  }
0x77: {  	s6 =	simm.s32 $0x1AD80;
	s30 =	simm.s32 $0x1ED80  }
0x78: {  	[tilespmem:s30], [sflag:$0x1] =	stream.indirect.gather [hbm4b:s7+s18], $0x1, s6, s18, $0xb8;
	[tilespmem:$0x1EF00] =	vst v63  }
0x79: {  	s31 =	simm.s32 $0x1AE00  }
0x7a: {  	[tilespmem:s20], [sflag:$0x1] =	stream.indirect.gather [hbm4b:s7+s18], $0x1, s31, s18, $0xb8;
	[tilespmem:$0x1EF00] =	vst v63  }
0x7b: {  	_ = 	snop  }
0x7c: {  	[tilespmem:s22], [sflag:$0x1] =	stream.indirect.gather [hbm4b:s7+s18], $0x1, s21, s18, $0xb8;
	[tilespmem:$0x1EF00] =	vst v63  }
.LBB2_3:
0x7d: {  	p2 =	por $0x1, $0x1;
	s0 =	simm.s32 $0x0  }
.LBB2_4:
0x7e: {  	s30 =	sor.u32 s10, s0  }
0x7f: {  	s0 =	sor.u32 s11, s30  }
0x80: {  	s0 =	sshrl.u32 s0, $0x3  }
0x81: {  	s0 =	sadd.s32 s1, s0  }
0x82: {  	[tilespmem:s29], [sflag:$0x2] =	stream.strided.gather [hbm4b:s0+s18], $0x18700, s23, s18, $0x38;
	[tilespmem:$0x1EF00] =	vst v63  }
0x83: {  	_ =	swait.ge [sflag:s16], $0x18700  }
0x84: {  	[sflag:s16] =	ssyncset.done $0x0  }
0x85: {  	s31 =	simm.s32 $0x0;
	[sflag:s16] =	ssyncadd.s32 $0xFFFE7900  }
0x86: {  	v0 =	vld [tilespmem:s31+$0x18700];
	_ =	sdelay $0x5  }
0x87: {  	v1 =	vld [tilespmem:s31+$0x18710];
	_ =	sdelay $0x1  }
0x88: {  	v0 =	vld.idx.msk [tilespmem:v0+s5+$0x0], $0xffff;
	_ =	sdelay $0x4  }
0x89: {  	[tilespmem:s31+$0x1AF00] =	vst v0;
	v0 =	vld [tilespmem:s31+$0x18720]  }
0x8a: {  	v1 =	vld.idx.msk [tilespmem:v1+s5+$0x0], $0xffff;
	_ =	sdelay $0x4  }
0x8b: {  	[tilespmem:s31+$0x1AF10] =	vst v1;
	v1 =	vld [tilespmem:s31+$0x18730];
	_ =	sdelay $0x1  }
0x8c: {  	v0 =	vld.idx.msk [tilespmem:v0+s5+$0x0], $0xffff;
	_ =	sdelay $0x4  }
0x8d: {  	[tilespmem:s31+$0x1AF20] =	vst v0;
	v0 =	vld [tilespmem:s31+$0x18740]  }
0x8e: {  	v1 =	vld.idx.msk [tilespmem:v1+s5+$0x0], $0xffff;
	_ =	sdelay $0x4  }
0x8f: {  	[tilespmem:s31+$0x1AF30] =	vst v1;
	v1 =	vld [tilespmem:s31+$0x18750];
	_ =	sdelay $0x1  }
0x90: {  	v0 =	vld.idx.msk [tilespmem:v0+s5+$0x0], $0xffff;
	_ =	sdelay $0x4  }
0x91: {  	v2 =	vld [tilespmem:s31+$0x18760];
	[tilespmem:s31+$0x1AF40] =	vst v0  }
0x92: {  	v0 =	vld.idx.msk [tilespmem:v1+s5+$0x0], $0xffff;
	_ =	sdelay $0x4  }
0x93: {  	[tilespmem:s31+$0x1AF50] =	vst v0;
	v0 =	vld [tilespmem:s31+$0x18770];
	_ =	sdelay $0x1  }
0x94: {  	v1 =	vld.idx.msk [tilespmem:v2+s5+$0x0], $0xffff;
	_ =	sdelay $0x3  }
0x95: {  	p1 =	por p2, p2;
	s6 =	simm.s32 $0x80;
	s0 =	simm.s32 $0x400  }
.LBB2_5:
0x96: {  	p2 =	sne.s32 s0, $0x9E00;
	v2 =	vld [tilespmem:s6+$0x18700];
	[tilespmem:s31+$0x1AF60] =	vst v1  }
0x97: {  	v0 =	vld.idx.msk [tilespmem:v0+s5+$0x0], $0xffff;
	_ =	sdelay $0x5  }
0x98: {  	v1 =	vld [tilespmem:s6+$0x18710];
	[tilespmem:s31+$0x1AF70] =	vst v0;
	s31 =	smov.u32 s6  }
0x99: {  	v0 =	vld.idx.msk [tilespmem:v2+s5+$0x0], $0xffff;
	_ =	sdelay $0x5  }
0x9a: {  	[tilespmem:s31+$0x1AF00] =	vst v0;
	v0 =	vld [tilespmem:s31+$0x18720]  }
0x9b: {  	v1 =	vld.idx.msk [tilespmem:v1+s5+$0x0], $0xffff;
	_ =	sdelay $0x5  }
0x9c: {  	[tilespmem:s31+$0x1AF10] =	vst v1;
	v1 =	vld [tilespmem:s31+$0x18730]  }
0x9d: {  	v0 =	vld.idx.msk [tilespmem:v0+s5+$0x0], $0xffff;
	_ =	sdelay $0x5  }
0x9e: {  	[tilespmem:s31+$0x1AF20] =	vst v0;
	v0 =	vld [tilespmem:s31+$0x18740]  }
0x9f: {  	v1 =	vld.idx.msk [tilespmem:v1+s5+$0x0], $0xffff;
	_ =	sdelay $0x5  }
0xa0: {  	[tilespmem:s31+$0x1AF30] =	vst v1;
	v1 =	vld [tilespmem:s31+$0x18750]  }
0xa1: {  	v0 =	vld.idx.msk [tilespmem:v0+s5+$0x0], $0xffff;
	_ =	sdelay $0x5  }
0xa2: {  	[tilespmem:s31+$0x1AF40] =	vst v0;
	v2 =	vld [tilespmem:s31+$0x18760]  }
0xa3: {  	v0 =	vld.idx.msk [tilespmem:v1+s5+$0x0], $0xffff;
	_ =	sdelay $0x5  }
0xa4: {  	[tilespmem:s31+$0x1AF50] =	vst v0;
	v0 =	vld [tilespmem:s31+$0x18770]  }
0xa5: {  	v1 =	vld.idx.msk [tilespmem:v2+s5+$0x0], $0xffff  }
.Ltmp3:
0xa6: {  	(pc) =	sbr.rel @p2 .LBB2_5-.Ltmp3, $2  }
0xa7: {  	_ =	sdelay $0x2  }
0xa8: {  	s6 =	sshra.s32 s0, $0x2;
	s0 =	sadd.s32 $0x200, s0  }
0xa9: {  	_ =	sdelay $0x1  }
0xaa: {  	v2 =	vld [tilespmem:s6+$0x18700]  }
0xab: {  	[tilespmem:s31+$0x1AF60] =	vst v1  }
0xac: {  	v0 =	vld.idx.msk [tilespmem:v0+s5+$0x0], $0xffff;
	_ =	sdelay $0x3  }
0xad: {  	v1 =	vld [tilespmem:s6+$0x18710]  }
0xae: {  	[tilespmem:s31+$0x1AF70] =	vst v0  }
0xaf: {  	v0 =	vld.idx.msk [tilespmem:v2+s5+$0x0], $0xffff;
	_ =	sdelay $0x3  }
0xb0: {  	v58 =	vld [tilespmem:s6+$0x18720]  }
0xb1: {  	[tilespmem:s6+$0x1AF00] =	vst v0  }
0xb2: {  	v1 =	vld.idx.msk [tilespmem:v1+s5+$0x0], $0xffff;
	_ =	sdelay $0x3  }
0xb3: {  	v59 =	vld [tilespmem:s6+$0x18730]  }
0xb4: {  	[tilespmem:s6+$0x1AF10] =	vst v1  }
0xb5: {  	v0 =	vld.idx.msk [tilespmem:v58+s5+$0x0], $0xffff;
	_ =	sdelay $0x3  }
0xb6: {  	v60 =	vld [tilespmem:s6+$0x18740]  }
0xb7: {  	[tilespmem:s6+$0x1AF20] =	vst v0  }
0xb8: {  	v1 =	vld.idx.msk [tilespmem:v59+s5+$0x0], $0xffff;
	_ =	sdelay $0x3  }
0xb9: {  	v61 =	vld [tilespmem:s6+$0x18750]  }
0xba: {  	[tilespmem:s6+$0x1AF30] =	vst v1  }
0xbb: {  	v0 =	vld.idx.msk [tilespmem:v60+s5+$0x0], $0xffff;
	_ =	sdelay $0x3  }
0xbc: {  	v62 =	vld [tilespmem:s6+$0x18760]  }
0xbd: {  	[tilespmem:s6+$0x1AF40] =	vst v0  }
0xbe: {  	v1 =	vld.idx.msk [tilespmem:v61+s5+$0x0], $0xffff;
	_ =	sdelay $0x3  }
0xbf: {  	v63 =	vld [tilespmem:s6+$0x18770]  }
0xc0: {  	[tilespmem:s6+$0x1AF50] =	vst v1  }
0xc1: {  	v0 =	vld.idx.msk [tilespmem:v62+s5+$0x0], $0xffff;
	_ =	sdelay $0x4  }
0xc2: {  	[tilespmem:s6+$0x1AF60] =	vst v0  }
0xc3: {  	v0 =	vld.idx.msk [tilespmem:v63+s5+$0x0], $0xffff;
	_ =	sdelay $0x2  }
0xc4: {  	s0 =	sor.u32 s12, s30  }
0xc5: {  	s0 =	sshrl.u32 s0, $0x3  }
0xc6: {  	s31 =	sadd.s32 s8, s0;
	s0 =	simm.s32 $0x80;
	[tilespmem:s6+$0x1AF70] =	vst v0  }
0xc7: {  	[hbm4b:s31+s0] =	stream.strided.scatter [tilespmem:s24], [sflag:$0x2], $0x1000, s23, s0, $0x38;
	[tilespmem:$0x1EF00] =	vst v63  }
0xc8: {  	s31 =	sor.u32 s13, s30;
	_ =	swait.ge [sflag:s16], $0x1000  }
0xc9: {  	s6 =	sshrl.u32 s31, $0x3;
	[sflag:s16] =	ssyncset.done $0x0  }
.Ltmp4:
0xca: {  	s6 =	sadd.s32 s4, s6;
	[sflag:s16] =	ssyncadd.s32 $0xFFFFF000;
	(pc) =	sbr.rel @p1 .LBB2_4-.Ltmp4, $4  }
0xcb: {  	[hbm4b:s6+s0] =	stream.strided.scatter [tilespmem:s25], [sflag:$0x2], $0x1800, s23, s0, $0x38;
	[tilespmem:$0x1EF00] =	vst v63  }
0xcc: {  	_ =	swait.ge [sflag:s16], $0x1800  }
0xcd: {  	[sflag:s16] =	ssyncset.done $0x0  }
0xce: {  	p2 =	por $0x0, $0x0;
	[sflag:s16] =	ssyncadd.s32 $0xFFFFE800  }
.Ltmp5:
0xcf: {  	(pc) =	sbr.rel @p0 .LBB2_11-.Ltmp5, $2  }
0xd0: {  	_ =	sdelay $0x2  }
0xd1: {  	s0 =	simm.s32 $0x30  }
0xd2: {  	_ =	swait.ge [sflag:s26], $0x80  }
0xd3: {  	s0 =	sadd.s32 $0xFFFFFFFF, s0;
	[sflag:s26] =	ssyncset.done $0x0  }
.LBB2_9:
0xd4: {  	p1 =	sne.s32 s0, $0x1;
	s0 =	sadd.s32 $0xFFFFFFFF, s0;
	[sflag:s26] =	ssyncadd.s32 $0xFFFFFF80  }
.Ltmp6:
0xd5: {  	(pc) =	sbr.rel @p1 .LBB2_9-.Ltmp6, $3  }
0xd6: {  	_ =	sdelay $0x1  }
0xd7: {  	_ =	swait.ge [sflag:s26], $0x80  }
0xd8: {  	[sflag:s26] =	ssyncset.done $0x0  }
.Ltmp7:
0xd9: {  	[sflag:s26] =	ssyncadd.s32 $0xFFFFFF80;
	(pc) =	sbr.rel .LBB2_11-.Ltmp7, $4  }
0xda: {  	[hbm4b:s9+s5] =	stream.linear.scatter [tilespmem:s19], [sflag:$0x2], $0x1800, $0x38;
	[tilespmem:$0x1EF00] =	vst v63  }
0xdb: {  	_ =	swait.ge [sflag:s16], $0x1800  }
0xdc: {  	[sflag:s16] =	ssyncset.done $0x0  }
0xdd: {  	[sflag:s16] =	ssyncadd.s32 $0xFFFFE800  }
.LBB2_12:
0xde: {  	_ =	sfence.sel $0x180000  }
0xdf: {  	[bflag:$0x0] =	sbarrier.arrive $0xFFFF  }
0xe0: {  	_ =	strace $0x90000047  }
0xe1: {  	s0 =	stileid.u32;
	[bflag:$0x2] =	sbarrier.arrive $0xFFFF  }
0xe2: {  	p0 =	sne.s32 s0, $0x0;
	s0 =	rddreg [dreg:$0x5]  }
0xe3: {  	s0 =	sadd.s32 @!p0 $0x100000, s0  }
0xe4: {  	[sflag:s0] =	ssyncadd.tile.s32 @!p0 $0x1;
	_ =	shalt  }
.Lfunc_end2:
_tile_overlayer_lowered:
.L_overlay_start_2:
0xe5: {  	(tag) =	ssettag $0x2  }
0xe6: {  	s0 =	rddreg [dreg:$0x0];
	s2 =	stileid.u32  }
0xe7: {  	s1 =	rddreg [dreg:$0x1];
	p0 =	sne.s32 s2, $0x0  }
0xe8: {  	s3 =	rddreg [dreg:$0x2];
	[bflag:$0x3] =	sbarrier.arrive $0xFFFF;
	s2 =	simm.s32 @!p0 $0x1C02  }
0xe9: {  	[timem:s3], [sflag:s2] =	dma.local @!p0 [hbm:s0], s1  }
0xea: {  	s0 =	simm.s32 @!p0 $0x2  }
0xeb: {  	_ =	swait.ge @!p0 [sflag:s0], s1  }
0xec: {  	s1 =	ssub.s32 @!p0 $0x0, s1;
	[sflag:s0] =	ssyncset.done @!p0 $0x0  }
0xed: {  	[sflag:s0] =	ssyncadd.s32 @!p0 s1  }
0xee: {  	[bflag:$0x3] =	sbarrier.arrive $0xFFFF  }
0xef: {  	_ =	shalt  }

</sc_bundles>
